<compile_context>
chip_gen: v7x
topology: tpu7x:2x2x1
jax: 0.10.2.dev20260603
libtpu: 0.0.44.dev20260713+nightly
codegen_flags: <defaults>
</compile_context>

<pallas_src>
import functools

import jax
import jax.numpy as jnp
from jax import lax
from jax.experimental import pallas as pl
from jax.experimental.pallas import tpu as pltpu
from jax.experimental.pallas import tpu_sc as plsc

VOCAB = 32000
EMB = 512
TOTAL = 16384

NC = 2
NS = 16
NW = NC * NS
TPW = TOTAL // NW
CHUNK = 32
NCHUNK = TPW // CHUNK
NBUF = 7


def _lookup_kernel(idx_hbm, cu_hbm, table_hbm, out_hbm, bnd_hbm,
                   idx_v, bnd_v, *scratch):
    rows = scratch[:NBUF]
    gsem = scratch[NBUF:2 * NBUF]
    ssem = scratch[2 * NBUF:3 * NBUF]
    isem = scratch[3 * NBUF]
    wid = lax.axis_index("s") * NC + lax.axis_index("c")
    base = wid * TPW
    ih = pltpu.async_copy(idx_hbm.at[pl.ds(base, TPW)], idx_v, isem)

    def gather(j):
        b = j % NBUF
        return pltpu.async_copy(
            table_hbm.at[idx_v.at[pl.ds(j * CHUNK, CHUNK)]], rows[b], gsem[b])

    def store(j):
        b = j % NBUF
        return pltpu.async_copy(
            rows[b], out_hbm.at[pl.ds(base + j * CHUNK, CHUNK)], ssem[b])

    ih.wait()
    gh = [None] * NCHUNK
    sh = [None] * NCHUNK
    for j in range(NBUF):
        gh[j] = gather(j)
    for j in range(NCHUNK):
        gh[j].wait()
        sh[j] = store(j)
        nj = j - 1 + NBUF
        if j >= 1 and nj < NCHUNK:
            sh[j - 1].wait()
            gh[nj] = gather(nj)
    @pl.when(wid == 0)
    def _():
        pltpu.sync_copy(cu_hbm, bnd_v)
        pltpu.sync_copy(bnd_v, bnd_hbm)
    for j in range(max(0, NCHUNK - NBUF), NCHUNK):
        sh[j].wait()


@jax.jit
def _lookup(flat_tokens, cu_seqlens, emb_table):
    mesh = plsc.VectorSubcoreMesh(core_axis_name="c", subcore_axis_name="s")
    nb = cu_seqlens.shape[0]
    run = pl.kernel(
        _lookup_kernel,
        mesh=mesh,
        out_type=(jax.ShapeDtypeStruct((TOTAL, EMB), jnp.float32),
                  jax.ShapeDtypeStruct((nb,), cu_seqlens.dtype)),
        scratch_types=(
            [pltpu.VMEM((TPW,), jnp.int32),
             pltpu.VMEM((nb,), jnp.int32)]
            + [pltpu.VMEM((CHUNK, EMB), jnp.float32) for _ in range(NBUF)]
            + [pltpu.SemaphoreType.DMA for _ in range(2 * NBUF + 1)]
        ),
    )
    return run(flat_tokens, cu_seqlens, emb_table)


def kernel(flat_tokens, cu_seqlens, emb_table):
    all_embs, boundaries = _lookup(flat_tokens, cu_seqlens, emb_table)
    return (all_embs, boundaries)

# --- scband reference (transcript-rebuilt; emitter-appended) ---
"""Pipeline reference for scband-lookup-embeddings-57200374448624 (READ-ONLY COPY).

The authoritative reference and input builder live on the scoring server;
editing this copy changes nothing except your own understanding.
"""

import jax, jax.numpy as jnp
import numpy as np

VOCAB = 32000
EMB = 512
B = 16
TOTAL = 16384


def setup_inputs(seed: int = 0) -> dict:
    key = jax.random.key(seed)
    k1, k2, k3 = jax.random.split(key, 3)
    # Flattened ragged token stream (PackedSequencePlus flattening of nested token lists)
    flat_tokens = jax.random.randint(k1, (TOTAL,), 0, VOCAB, dtype=jnp.int32)
    # Segment boundaries per batch item (analog of the cumsum 'boundaries' output)
    inner = jnp.sort(jax.random.randint(k2, (B - 1,), 0, TOTAL, dtype=jnp.int32))
    cu_seqlens = jnp.concatenate([
        jnp.zeros((1,), dtype=jnp.int32),
        inner,
        jnp.full((1,), TOTAL, dtype=jnp.int32),
    ])
    # Learned embedding table (nn.Embedding weight)
    emb_table = jax.random.normal(k3, (VOCAB, EMB), dtype=jnp.float32) * 0.02
    return {"flat_tokens": flat_tokens, "cu_seqlens": cu_seqlens, "emb_table": emb_table}


def reference(flat_tokens, cu_seqlens, emb_table):
    # LookupEmbeddings.forward: pack ragged token lists into a flat index tensor,
    # run the embedding lookup over the packed data, and return the packed
    # embeddings together with the per-item boundary offsets.
    all_embs = jnp.take(emb_table, flat_tokens, axis=0)  # [TOTAL, EMB]
    boundaries = cu_seqlens  # cumulative offsets, analog of np.cumsum boundaries
    return (all_embs, boundaries)

if __name__ == "__main__":
    import jax
    _d = setup_inputs()
    print(jax.jit(kernel)(*tuple(_d.values())))

</pallas_src>

<mosaic_0001>
#map = affine_map<(d0, d1) -> (0)>
#map1 = affine_map<(d0, d1) -> (0, 0)>
module attributes {stable_mosaic.version = 14 : i64} {
  func.func @_lookup_kernel(%arg0: i32, %arg1: i32, %arg2: memref<16384xi32, #tpu.memory_space<hbm>>, %arg3: memref<17xi32, #tpu.memory_space<hbm>>, %arg4: memref<32000x512xf32, #tpu.memory_space<hbm>>, %arg5: memref<16384x512xf32, #tpu.memory_space<hbm>>, %arg6: memref<17xi32, #tpu.memory_space<hbm>>, %arg7: memref<512xi32, #tpu.memory_space<vmem>>, %arg8: memref<17xi32, #tpu.memory_space<vmem>>, %arg9: memref<32x512xf32, #tpu.memory_space<vmem>>, %arg10: memref<32x512xf32, #tpu.memory_space<vmem>>, %arg11: memref<32x512xf32, #tpu.memory_space<vmem>>, %arg12: memref<32x512xf32, #tpu.memory_space<vmem>>, %arg13: memref<32x512xf32, #tpu.memory_space<vmem>>, %arg14: memref<32x512xf32, #tpu.memory_space<vmem>>, %arg15: memref<32x512xf32, #tpu.memory_space<vmem>>, %arg16: memref<!tpu.dma_semaphore, #tpu.memory_space<semaphore_mem>>, %arg17: memref<!tpu.dma_semaphore, #tpu.memory_space<semaphore_mem>>, %arg18: memref<!tpu.dma_semaphore, #tpu.memory_space<semaphore_mem>>, %arg19: memref<!tpu.dma_semaphore, #tpu.memory_space<semaphore_mem>>, %arg20: memref<!tpu.dma_semaphore, #tpu.memory_space<semaphore_mem>>, %arg21: memref<!tpu.dma_semaphore, #tpu.memory_space<semaphore_mem>>, %arg22: memref<!tpu.dma_semaphore, #tpu.memory_space<semaphore_mem>>, %arg23: memref<!tpu.dma_semaphore, #tpu.memory_space<semaphore_mem>>, %arg24: memref<!tpu.dma_semaphore, #tpu.memory_space<semaphore_mem>>, %arg25: memref<!tpu.dma_semaphore, #tpu.memory_space<semaphore_mem>>, %arg26: memref<!tpu.dma_semaphore, #tpu.memory_space<semaphore_mem>>, %arg27: memref<!tpu.dma_semaphore, #tpu.memory_space<semaphore_mem>>, %arg28: memref<!tpu.dma_semaphore, #tpu.memory_space<semaphore_mem>>, %arg29: memref<!tpu.dma_semaphore, #tpu.memory_space<semaphore_mem>>, %arg30: memref<!tpu.dma_semaphore, #tpu.memory_space<semaphore_mem>>) attributes {dimension_semantics = [#tpu.dimension_semantics<core_parallel>, #tpu.dimension_semantics<subcore_parallel>], iteration_bounds = array<i64: 2, 16>, scalar_prefetch = 0 : i64, scratch_operands = 24 : i64, tpu.core_type = #tpu.core_type<sc_vector_subcore>, window_params = [{transform_indices = #map}, {transform_indices = #map}, {transform_indices = #map1}, {transform_indices = #map1}, {transform_indices = #map}]} {
    %mul3A = arith.constant 2 : i32
    %mul3A_0 = arith.muli %arg1, %mul3A : i32
    %add3A = arith.addi %mul3A_0, %arg0 : i32
    %mul3A_1 = arith.constant 512 : i32
    %mul3A_2 = arith.muli %add3A, %mul3A_1 : i32
    %dma_start3A = tpu.memref_slice %arg2[%mul3A_2] : memref<16384xi32, #tpu.memory_space<hbm>> -> memref<512xi32, #tpu.memory_space<hbm>>
    %dma_start3A_3 = tpu.memref_slice %arg2[%mul3A_2] : memref<16384xi32, #tpu.memory_space<hbm>> -> memref<512xi32, #tpu.memory_space<hbm>>
    tpu.enqueue_dma source(%dma_start3A_3 : memref<512xi32, #tpu.memory_space<hbm>>) target(%arg7 : memref<512xi32, #tpu.memory_space<vmem>>) target_semaphore(%arg30 : memref<!tpu.dma_semaphore, #tpu.memory_space<semaphore_mem>>)
    %dma_wait3A = tpu.memref_slice %arg2[%mul3A_2] : memref<16384xi32, #tpu.memory_space<hbm>> -> memref<512xi32, #tpu.memory_space<hbm>>
    %dma_wait3A_4 = tpu.memref_slice %arg2[%mul3A_2] : memref<16384xi32, #tpu.memory_space<hbm>> -> memref<512xi32, #tpu.memory_space<hbm>>
    tpu.wait_dma2 semaphore(%arg30 : memref<!tpu.dma_semaphore, #tpu.memory_space<semaphore_mem>>) src(%dma_wait3A_4 : memref<512xi32, #tpu.memory_space<hbm>>) dst(%arg7 : memref<512xi32, #tpu.memory_space<vmem>>)
    %dma_start3A_5 = arith.constant 0 : i32
    %dma_start3A_6 = tpu.memref_slice %arg7[%dma_start3A_5] : memref<512xi32, #tpu.memory_space<vmem>> -> memref<32xi32, #tpu.memory_space<vmem>>
    %dma_start3A_7 = arith.constant 0 : i32
    %dma_start3A_8 = arith.constant 0 : i32
    %dma_start3A_9 = tpu.memref_slice %arg4[%dma_start3A_7, %dma_start3A_8] : memref<32000x512xf32, #tpu.memory_space<hbm>> -> memref<32000x512xf32, #tpu.memory_space<hbm>>
    tpu.enqueue_indirect_dma source(%dma_start3A_9 : memref<32000x512xf32, #tpu.memory_space<hbm>>) target(%arg9 : memref<32x512xf32, #tpu.memory_space<vmem>>) offsets(%dma_start3A_6 : memref<32xi32, #tpu.memory_space<vmem>>) semaphore(%arg16 : memref<!tpu.dma_semaphore, #tpu.memory_space<semaphore_mem>>)
    %dma_start3A_10 = arith.constant 32 : i32
    %dma_start3A_11 = tpu.memref_slice %arg7[%dma_start3A_10] : memref<512xi32, #tpu.memory_space<vmem>> -> memref<32xi32, #tpu.memory_space<vmem>>
    %dma_start3A_12 = arith.constant 0 : i32
    %dma_start3A_13 = arith.constant 0 : i32
    %dma_start3A_14 = tpu.memref_slice %arg4[%dma_start3A_12, %dma_start3A_13] : memref<32000x512xf32, #tpu.memory_space<hbm>> -> memref<32000x512xf32, #tpu.memory_space<hbm>>
    tpu.enqueue_indirect_dma source(%dma_start3A_14 : memref<32000x512xf32, #tpu.memory_space<hbm>>) target(%arg10 : memref<32x512xf32, #tpu.memory_space<vmem>>) offsets(%dma_start3A_11 : memref<32xi32, #tpu.memory_space<vmem>>) semaphore(%arg17 : memref<!tpu.dma_semaphore, #tpu.memory_space<semaphore_mem>>)
    %dma_start3A_15 = arith.constant 64 : i32
    %dma_start3A_16 = tpu.memref_slice %arg7[%dma_start3A_15] : memref<512xi32, #tpu.memory_space<vmem>> -> memref<32xi32, #tpu.memory_space<vmem>>
    %dma_start3A_17 = arith.constant 0 : i32
    %dma_start3A_18 = arith.constant 0 : i32
    %dma_start3A_19 = tpu.memref_slice %arg4[%dma_start3A_17, %dma_start3A_18] : memref<32000x512xf32, #tpu.memory_space<hbm>> -> memref<32000x512xf32, #tpu.memory_space<hbm>>
    tpu.enqueue_indirect_dma source(%dma_start3A_19 : memref<32000x512xf32, #tpu.memory_space<hbm>>) target(%arg11 : memref<32x512xf32, #tpu.memory_space<vmem>>) offsets(%dma_start3A_16 : memref<32xi32, #tpu.memory_space<vmem>>) semaphore(%arg18 : memref<!tpu.dma_semaphore, #tpu.memory_space<semaphore_mem>>)
    %dma_start3A_20 = arith.constant 96 : i32
    %dma_start3A_21 = tpu.memref_slice %arg7[%dma_start3A_20] : memref<512xi32, #tpu.memory_space<vmem>> -> memref<32xi32, #tpu.memory_space<vmem>>
    %dma_start3A_22 = arith.constant 0 : i32
    %dma_start3A_23 = arith.constant 0 : i32
    %dma_start3A_24 = tpu.memref_slice %arg4[%dma_start3A_22, %dma_start3A_23] : memref<32000x512xf32, #tpu.memory_space<hbm>> -> memref<32000x512xf32, #tpu.memory_space<hbm>>
    tpu.enqueue_indirect_dma source(%dma_start3A_24 : memref<32000x512xf32, #tpu.memory_space<hbm>>) target(%arg12 : memref<32x512xf32, #tpu.memory_space<vmem>>) offsets(%dma_start3A_21 : memref<32xi32, #tpu.memory_space<vmem>>) semaphore(%arg19 : memref<!tpu.dma_semaphore, #tpu.memory_space<semaphore_mem>>)
    %dma_start3A_25 = arith.constant 128 : i32
    %dma_start3A_26 = tpu.memref_slice %arg7[%dma_start3A_25] : memref<512xi32, #tpu.memory_space<vmem>> -> memref<32xi32, #tpu.memory_space<vmem>>
    %dma_start3A_27 = arith.constant 0 : i32
    %dma_start3A_28 = arith.constant 0 : i32
    %dma_start3A_29 = tpu.memref_slice %arg4[%dma_start3A_27, %dma_start3A_28] : memref<32000x512xf32, #tpu.memory_space<hbm>> -> memref<32000x512xf32, #tpu.memory_space<hbm>>
    tpu.enqueue_indirect_dma source(%dma_start3A_29 : memref<32000x512xf32, #tpu.memory_space<hbm>>) target(%arg13 : memref<32x512xf32, #tpu.memory_space<vmem>>) offsets(%dma_start3A_26 : memref<32xi32, #tpu.memory_space<vmem>>) semaphore(%arg20 : memref<!tpu.dma_semaphore, #tpu.memory_space<semaphore_mem>>)
    %dma_start3A_30 = arith.constant 160 : i32
    %dma_start3A_31 = tpu.memref_slice %arg7[%dma_start3A_30] : memref<512xi32, #tpu.memory_space<vmem>> -> memref<32xi32, #tpu.memory_space<vmem>>
    %dma_start3A_32 = arith.constant 0 : i32
    %dma_start3A_33 = arith.constant 0 : i32
    %dma_start3A_34 = tpu.memref_slice %arg4[%dma_start3A_32, %dma_start3A_33] : memref<32000x512xf32, #tpu.memory_space<hbm>> -> memref<32000x512xf32, #tpu.memory_space<hbm>>
    tpu.enqueue_indirect_dma source(%dma_start3A_34 : memref<32000x512xf32, #tpu.memory_space<hbm>>) target(%arg14 : memref<32x512xf32, #tpu.memory_space<vmem>>) offsets(%dma_start3A_31 : memref<32xi32, #tpu.memory_space<vmem>>) semaphore(%arg21 : memref<!tpu.dma_semaphore, #tpu.memory_space<semaphore_mem>>)
    %dma_start3A_35 = arith.constant 192 : i32
    %dma_start3A_36 = tpu.memref_slice %arg7[%dma_start3A_35] : memref<512xi32, #tpu.memory_space<vmem>> -> memref<32xi32, #tpu.memory_space<vmem>>
    %dma_start3A_37 = arith.constant 0 : i32
    %dma_start3A_38 = arith.constant 0 : i32
    %dma_start3A_39 = tpu.memref_slice %arg4[%dma_start3A_37, %dma_start3A_38] : memref<32000x512xf32, #tpu.memory_space<hbm>> -> memref<32000x512xf32, #tpu.memory_space<hbm>>
    tpu.enqueue_indirect_dma source(%dma_start3A_39 : memref<32000x512xf32, #tpu.memory_space<hbm>>) target(%arg15 : memref<32x512xf32, #tpu.memory_space<vmem>>) offsets(%dma_start3A_36 : memref<32xi32, #tpu.memory_space<vmem>>) semaphore(%arg22 : memref<!tpu.dma_semaphore, #tpu.memory_space<semaphore_mem>>)
    %dma_wait3A_40 = arith.constant 0 : i32
    %dma_wait3A_41 = tpu.memref_slice %arg7[%dma_wait3A_40] : memref<512xi32, #tpu.memory_space<vmem>> -> memref<32xi32, #tpu.memory_space<vmem>>
    %dma_wait3A_42 = arith.constant 0 : i32
    %dma_wait3A_43 = arith.constant 0 : i32
    %dma_wait3A_44 = tpu.memref_slice %arg4[%dma_wait3A_42, %dma_wait3A_43] : memref<32000x512xf32, #tpu.memory_space<hbm>> -> memref<32000x512xf32, #tpu.memory_space<hbm>>
    tpu.wait_indirect_dma semaphore(%arg16 : memref<!tpu.dma_semaphore, #tpu.memory_space<semaphore_mem>>) src(%dma_wait3A_44 : memref<32000x512xf32, #tpu.memory_space<hbm>>) dst(%arg9 : memref<32x512xf32, #tpu.memory_space<vmem>>)
    %add3A_45 = arith.constant 0 : i32
    %add3A_46 = arith.addi %mul3A_2, %add3A_45 : i32
    %dma_start3A_47 = arith.constant 0 : i32
    %dma_start3A_48 = tpu.memref_slice %arg5[%add3A_46, %dma_start3A_47] : memref<16384x512xf32, #tpu.memory_space<hbm>> -> memref<32x512xf32, #tpu.memory_space<hbm>>
    %dma_start3A_49 = arith.constant 0 : i32
    %dma_start3A_50 = tpu.memref_slice %arg5[%add3A_46, %dma_start3A_49] : memref<16384x512xf32, #tpu.memory_space<hbm>> -> memref<32x512xf32, #tpu.memory_space<hbm>>
    tpu.enqueue_dma source(%arg9 : memref<32x512xf32, #tpu.memory_space<vmem>>) target(%dma_start3A_50 : memref<32x512xf32, #tpu.memory_space<hbm>>) target_semaphore(%arg23 : memref<!tpu.dma_semaphore, #tpu.memory_space<semaphore_mem>>)
    %dma_wait3A_51 = arith.constant 32 : i32
    %dma_wait3A_52 = tpu.memref_slice %arg7[%dma_wait3A_51] : memref<512xi32, #tpu.memory_space<vmem>> -> memref<32xi32, #tpu.memory_space<vmem>>
    %dma_wait3A_53 = arith.constant 0 : i32
    %dma_wait3A_54 = arith.constant 0 : i32
    %dma_wait3A_55 = tpu.memref_slice %arg4[%dma_wait3A_53, %dma_wait3A_54] : memref<32000x512xf32, #tpu.memory_space<hbm>> -> memref<32000x512xf32, #tpu.memory_space<hbm>>
    tpu.wait_indirect_dma semaphore(%arg17 : memref<!tpu.dma_semaphore, #tpu.memory_space<semaphore_mem>>) src(%dma_wait3A_55 : memref<32000x512xf32, #tpu.memory_space<hbm>>) dst(%arg10 : memref<32x512xf32, #tpu.memory_space<vmem>>)
    %add3A_56 = arith.constant 32 : i32
    %add3A_57 = arith.addi %mul3A_2, %add3A_56 : i32
    %dma_start3A_58 = arith.constant 0 : i32
    %dma_start3A_59 = tpu.memref_slice %arg5[%add3A_57, %dma_start3A_58] : memref<16384x512xf32, #tpu.memory_space<hbm>> -> memref<32x512xf32, #tpu.memory_space<hbm>>
    %dma_start3A_60 = arith.constant 0 : i32
    %dma_start3A_61 = tpu.memref_slice %arg5[%add3A_57, %dma_start3A_60] : memref<16384x512xf32, #tpu.memory_space<hbm>> -> memref<32x512xf32, #tpu.memory_space<hbm>>
    tpu.enqueue_dma source(%arg10 : memref<32x512xf32, #tpu.memory_space<vmem>>) target(%dma_start3A_61 : memref<32x512xf32, #tpu.memory_space<hbm>>) target_semaphore(%arg24 : memref<!tpu.dma_semaphore, #tpu.memory_space<semaphore_mem>>)
    %dma_wait3A_62 = arith.constant 0 : i32
    %dma_wait3A_63 = tpu.memref_slice %arg5[%add3A_46, %dma_wait3A_62] : memref<16384x512xf32, #tpu.memory_space<hbm>> -> memref<32x512xf32, #tpu.memory_space<hbm>>
    %dma_wait3A_64 = arith.constant 0 : i32
    %dma_wait3A_65 = tpu.memref_slice %arg5[%add3A_46, %dma_wait3A_64] : memref<16384x512xf32, #tpu.memory_space<hbm>> -> memref<32x512xf32, #tpu.memory_space<hbm>>
    tpu.wait_dma2 semaphore(%arg23 : memref<!tpu.dma_semaphore, #tpu.memory_space<semaphore_mem>>) src(%arg9 : memref<32x512xf32, #tpu.memory_space<vmem>>) dst(%dma_wait3A_65 : memref<32x512xf32, #tpu.memory_space<hbm>>)
    %dma_start3A_66 = arith.constant 224 : i32
    %dma_start3A_67 = tpu.memref_slice %arg7[%dma_start3A_66] : memref<512xi32, #tpu.memory_space<vmem>> -> memref<32xi32, #tpu.memory_space<vmem>>
    %dma_start3A_68 = arith.constant 0 : i32
    %dma_start3A_69 = arith.constant 0 : i32
    %dma_start3A_70 = tpu.memref_slice %arg4[%dma_start3A_68, %dma_start3A_69] : memref<32000x512xf32, #tpu.memory_space<hbm>> -> memref<32000x512xf32, #tpu.memory_space<hbm>>
    tpu.enqueue_indirect_dma source(%dma_start3A_70 : memref<32000x512xf32, #tpu.memory_space<hbm>>) target(%arg9 : memref<32x512xf32, #tpu.memory_space<vmem>>) offsets(%dma_start3A_67 : memref<32xi32, #tpu.memory_space<vmem>>) semaphore(%arg16 : memref<!tpu.dma_semaphore, #tpu.memory_space<semaphore_mem>>)
    %dma_wait3A_71 = arith.constant 64 : i32
    %dma_wait3A_72 = tpu.memref_slice %arg7[%dma_wait3A_71] : memref<512xi32, #tpu.memory_space<vmem>> -> memref<32xi32, #tpu.memory_space<vmem>>
    %dma_wait3A_73 = arith.constant 0 : i32
    %dma_wait3A_74 = arith.constant 0 : i32
    %dma_wait3A_75 = tpu.memref_slice %arg4[%dma_wait3A_73, %dma_wait3A_74] : memref<32000x512xf32, #tpu.memory_space<hbm>> -> memref<32000x512xf32, #tpu.memory_space<hbm>>
    tpu.wait_indirect_dma semaphore(%arg18 : memref<!tpu.dma_semaphore, #tpu.memory_space<semaphore_mem>>) src(%dma_wait3A_75 : memref<32000x512xf32, #tpu.memory_space<hbm>>) dst(%arg11 : memref<32x512xf32, #tpu.memory_space<vmem>>)
    %add3A_76 = arith.constant 64 : i32
    %add3A_77 = arith.addi %mul3A_2, %add3A_76 : i32
    %dma_start3A_78 = arith.constant 0 : i32
    %dma_start3A_79 = tpu.memref_slice %arg5[%add3A_77, %dma_start3A_78] : memref<16384x512xf32, #tpu.memory_space<hbm>> -> memref<32x512xf32, #tpu.memory_space<hbm>>
    %dma_start3A_80 = arith.constant 0 : i32
    %dma_start3A_81 = tpu.memref_slice %arg5[%add3A_77, %dma_start3A_80] : memref<16384x512xf32, #tpu.memory_space<hbm>> -> memref<32x512xf32, #tpu.memory_space<hbm>>
    tpu.enqueue_dma source(%arg11 : memref<32x512xf32, #tpu.memory_space<vmem>>) target(%dma_start3A_81 : memref<32x512xf32, #tpu.memory_space<hbm>>) target_semaphore(%arg25 : memref<!tpu.dma_semaphore, #tpu.memory_space<semaphore_mem>>)
    %dma_wait3A_82 = arith.constant 0 : i32
    %dma_wait3A_83 = tpu.memref_slice %arg5[%add3A_57, %dma_wait3A_82] : memref<16384x512xf32, #tpu.memory_space<hbm>> -> memref<32x512xf32, #tpu.memory_space<hbm>>
    %dma_wait3A_84 = arith.constant 0 : i32
    %dma_wait3A_85 = tpu.memref_slice %arg5[%add3A_57, %dma_wait3A_84] : memref<16384x512xf32, #tpu.memory_space<hbm>> -> memref<32x512xf32, #tpu.memory_space<hbm>>
    tpu.wait_dma2 semaphore(%arg24 : memref<!tpu.dma_semaphore, #tpu.memory_space<semaphore_mem>>) src(%arg10 : memref<32x512xf32, #tpu.memory_space<vmem>>) dst(%dma_wait3A_85 : memref<32x512xf32, #tpu.memory_space<hbm>>)
    %dma_start3A_86 = arith.constant 256 : i32
    %dma_start3A_87 = tpu.memref_slice %arg7[%dma_start3A_86] : memref<512xi32, #tpu.memory_space<vmem>> -> memref<32xi32, #tpu.memory_space<vmem>>
    %dma_start3A_88 = arith.constant 0 : i32
    %dma_start3A_89 = arith.constant 0 : i32
    %dma_start3A_90 = tpu.memref_slice %arg4[%dma_start3A_88, %dma_start3A_89] : memref<32000x512xf32, #tpu.memory_space<hbm>> -> memref<32000x512xf32, #tpu.memory_space<hbm>>
    tpu.enqueue_indirect_dma source(%dma_start3A_90 : memref<32000x512xf32, #tpu.memory_space<hbm>>) target(%arg10 : memref<32x512xf32, #tpu.memory_space<vmem>>) offsets(%dma_start3A_87 : memref<32xi32, #tpu.memory_space<vmem>>) semaphore(%arg17 : memref<!tpu.dma_semaphore, #tpu.memory_space<semaphore_mem>>)
    %dma_wait3A_91 = arith.constant 96 : i32
    %dma_wait3A_92 = tpu.memref_slice %arg7[%dma_wait3A_91] : memref<512xi32, #tpu.memory_space<vmem>> -> memref<32xi32, #tpu.memory_space<vmem>>
    %dma_wait3A_93 = arith.constant 0 : i32
    %dma_wait3A_94 = arith.constant 0 : i32
    %dma_wait3A_95 = tpu.memref_slice %arg4[%dma_wait3A_93, %dma_wait3A_94] : memref<32000x512xf32, #tpu.memory_space<hbm>> -> memref<32000x512xf32, #tpu.memory_space<hbm>>
    tpu.wait_indirect_dma semaphore(%arg19 : memref<!tpu.dma_semaphore, #tpu.memory_space<semaphore_mem>>) src(%dma_wait3A_95 : memref<32000x512xf32, #tpu.memory_space<hbm>>) dst(%arg12 : memref<32x512xf32, #tpu.memory_space<vmem>>)
    %add3A_96 = arith.constant 96 : i32
    %add3A_97 = arith.addi %mul3A_2, %add3A_96 : i32
    %dma_start3A_98 = arith.constant 0 : i32
    %dma_start3A_99 = tpu.memref_slice %arg5[%add3A_97, %dma_start3A_98] : memref<16384x512xf32, #tpu.memory_space<hbm>> -> memref<32x512xf32, #tpu.memory_space<hbm>>
    %dma_start3A_100 = arith.constant 0 : i32
    %dma_start3A_101 = tpu.memref_slice %arg5[%add3A_97, %dma_start3A_100] : memref<16384x512xf32, #tpu.memory_space<hbm>> -> memref<32x512xf32, #tpu.memory_space<hbm>>
    tpu.enqueue_dma source(%arg12 : memref<32x512xf32, #tpu.memory_space<vmem>>) target(%dma_start3A_101 : memref<32x512xf32, #tpu.memory_space<hbm>>) target_semaphore(%arg26 : memref<!tpu.dma_semaphore, #tpu.memory_space<semaphore_mem>>)
    %dma_wait3A_102 = arith.constant 0 : i32
    %dma_wait3A_103 = tpu.memref_slice %arg5[%add3A_77, %dma_wait3A_102] : memref<16384x512xf32, #tpu.memory_space<hbm>> -> memref<32x512xf32, #tpu.memory_space<hbm>>
    %dma_wait3A_104 = arith.constant 0 : i32
    %dma_wait3A_105 = tpu.memref_slice %arg5[%add3A_77, %dma_wait3A_104] : memref<16384x512xf32, #tpu.memory_space<hbm>> -> memref<32x512xf32, #tpu.memory_space<hbm>>
    tpu.wait_dma2 semaphore(%arg25 : memref<!tpu.dma_semaphore, #tpu.memory_space<semaphore_mem>>) src(%arg11 : memref<32x512xf32, #tpu.memory_space<vmem>>) dst(%dma_wait3A_105 : memref<32x512xf32, #tpu.memory_space<hbm>>)
    %dma_start3A_106 = arith.constant 288 : i32
    %dma_start3A_107 = tpu.memref_slice %arg7[%dma_start3A_106] : memref<512xi32, #tpu.memory_space<vmem>> -> memref<32xi32, #tpu.memory_space<vmem>>
    %dma_start3A_108 = arith.constant 0 : i32
    %dma_start3A_109 = arith.constant 0 : i32
    %dma_start3A_110 = tpu.memref_slice %arg4[%dma_start3A_108, %dma_start3A_109] : memref<32000x512xf32, #tpu.memory_space<hbm>> -> memref<32000x512xf32, #tpu.memory_space<hbm>>
    tpu.enqueue_indirect_dma source(%dma_start3A_110 : memref<32000x512xf32, #tpu.memory_space<hbm>>) target(%arg11 : memref<32x512xf32, #tpu.memory_space<vmem>>) offsets(%dma_start3A_107 : memref<32xi32, #tpu.memory_space<vmem>>) semaphore(%arg18 : memref<!tpu.dma_semaphore, #tpu.memory_space<semaphore_mem>>)
    %dma_wait3A_111 = arith.constant 128 : i32
    %dma_wait3A_112 = tpu.memref_slice %arg7[%dma_wait3A_111] : memref<512xi32, #tpu.memory_space<vmem>> -> memref<32xi32, #tpu.memory_space<vmem>>
    %dma_wait3A_113 = arith.constant 0 : i32
    %dma_wait3A_114 = arith.constant 0 : i32
    %dma_wait3A_115 = tpu.memref_slice %arg4[%dma_wait3A_113, %dma_wait3A_114] : memref<32000x512xf32, #tpu.memory_space<hbm>> -> memref<32000x512xf32, #tpu.memory_space<hbm>>
    tpu.wait_indirect_dma semaphore(%arg20 : memref<!tpu.dma_semaphore, #tpu.memory_space<semaphore_mem>>) src(%dma_wait3A_115 : memref<32000x512xf32, #tpu.memory_space<hbm>>) dst(%arg13 : memref<32x512xf32, #tpu.memory_space<vmem>>)
    %add3A_116 = arith.constant 128 : i32
    %add3A_117 = arith.addi %mul3A_2, %add3A_116 : i32
    %dma_start3A_118 = arith.constant 0 : i32
    %dma_start3A_119 = tpu.memref_slice %arg5[%add3A_117, %dma_start3A_118] : memref<16384x512xf32, #tpu.memory_space<hbm>> -> memref<32x512xf32, #tpu.memory_space<hbm>>
    %dma_start3A_120 = arith.constant 0 : i32
    %dma_start3A_121 = tpu.memref_slice %arg5[%add3A_117, %dma_start3A_120] : memref<16384x512xf32, #tpu.memory_space<hbm>> -> memref<32x512xf32, #tpu.memory_space<hbm>>
    tpu.enqueue_dma source(%arg13 : memref<32x512xf32, #tpu.memory_space<vmem>>) target(%dma_start3A_121 : memref<32x512xf32, #tpu.memory_space<hbm>>) target_semaphore(%arg27 : memref<!tpu.dma_semaphore, #tpu.memory_space<semaphore_mem>>)
    %dma_wait3A_122 = arith.constant 0 : i32
    %dma_wait3A_123 = tpu.memref_slice %arg5[%add3A_97, %dma_wait3A_122] : memref<16384x512xf32, #tpu.memory_space<hbm>> -> memref<32x512xf32, #tpu.memory_space<hbm>>
    %dma_wait3A_124 = arith.constant 0 : i32
    %dma_wait3A_125 = tpu.memref_slice %arg5[%add3A_97, %dma_wait3A_124] : memref<16384x512xf32, #tpu.memory_space<hbm>> -> memref<32x512xf32, #tpu.memory_space<hbm>>
    tpu.wait_dma2 semaphore(%arg26 : memref<!tpu.dma_semaphore, #tpu.memory_space<semaphore_mem>>) src(%arg12 : memref<32x512xf32, #tpu.memory_space<vmem>>) dst(%dma_wait3A_125 : memref<32x512xf32, #tpu.memory_space<hbm>>)
    %dma_start3A_126 = arith.constant 320 : i32
    %dma_start3A_127 = tpu.memref_slice %arg7[%dma_start3A_126] : memref<512xi32, #tpu.memory_space<vmem>> -> memref<32xi32, #tpu.memory_space<vmem>>
    %dma_start3A_128 = arith.constant 0 : i32
    %dma_start3A_129 = arith.constant 0 : i32
    %dma_start3A_130 = tpu.memref_slice %arg4[%dma_start3A_128, %dma_start3A_129] : memref<32000x512xf32, #tpu.memory_space<hbm>> -> memref<32000x512xf32, #tpu.memory_space<hbm>>
    tpu.enqueue_indirect_dma source(%dma_start3A_130 : memref<32000x512xf32, #tpu.memory_space<hbm>>) target(%arg12 : memref<32x512xf32, #tpu.memory_space<vmem>>) offsets(%dma_start3A_127 : memref<32xi32, #tpu.memory_space<vmem>>) semaphore(%arg19 : memref<!tpu.dma_semaphore, #tpu.memory_space<semaphore_mem>>)
    %dma_wait3A_131 = arith.constant 160 : i32
    %dma_wait3A_132 = tpu.memref_slice %arg7[%dma_wait3A_131] : memref<512xi32, #tpu.memory_space<vmem>> -> memref<32xi32, #tpu.memory_space<vmem>>
    %dma_wait3A_133 = arith.constant 0 : i32
    %dma_wait3A_134 = arith.constant 0 : i32
    %dma_wait3A_135 = tpu.memref_slice %arg4[%dma_wait3A_133, %dma_wait3A_134] : memref<32000x512xf32, #tpu.memory_space<hbm>> -> memref<32000x512xf32, #tpu.memory_space<hbm>>
    tpu.wait_indirect_dma semaphore(%arg21 : memref<!tpu.dma_semaphore, #tpu.memory_space<semaphore_mem>>) src(%dma_wait3A_135 : memref<32000x512xf32, #tpu.memory_space<hbm>>) dst(%arg14 : memref<32x512xf32, #tpu.memory_space<vmem>>)
    %add3A_136 = arith.constant 160 : i32
    %add3A_137 = arith.addi %mul3A_2, %add3A_136 : i32
    %dma_start3A_138 = arith.constant 0 : i32
    %dma_start3A_139 = tpu.memref_slice %arg5[%add3A_137, %dma_start3A_138] : memref<16384x512xf32, #tpu.memory_space<hbm>> -> memref<32x512xf32, #tpu.memory_space<hbm>>
    %dma_start3A_140 = arith.constant 0 : i32
    %dma_start3A_141 = tpu.memref_slice %arg5[%add3A_137, %dma_start3A_140] : memref<16384x512xf32, #tpu.memory_space<hbm>> -> memref<32x512xf32, #tpu.memory_space<hbm>>
    tpu.enqueue_dma source(%arg14 : memref<32x512xf32, #tpu.memory_space<vmem>>) target(%dma_start3A_141 : memref<32x512xf32, #tpu.memory_space<hbm>>) target_semaphore(%arg28 : memref<!tpu.dma_semaphore, #tpu.memory_space<semaphore_mem>>)
    %dma_wait3A_142 = arith.constant 0 : i32
    %dma_wait3A_143 = tpu.memref_slice %arg5[%add3A_117, %dma_wait3A_142] : memref<16384x512xf32, #tpu.memory_space<hbm>> -> memref<32x512xf32, #tpu.memory_space<hbm>>
    %dma_wait3A_144 = arith.constant 0 : i32
    %dma_wait3A_145 = tpu.memref_slice %arg5[%add3A_117, %dma_wait3A_144] : memref<16384x512xf32, #tpu.memory_space<hbm>> -> memref<32x512xf32, #tpu.memory_space<hbm>>
    tpu.wait_dma2 semaphore(%arg27 : memref<!tpu.dma_semaphore, #tpu.memory_space<semaphore_mem>>) src(%arg13 : memref<32x512xf32, #tpu.memory_space<vmem>>) dst(%dma_wait3A_145 : memref<32x512xf32, #tpu.memory_space<hbm>>)
    %dma_start3A_146 = arith.constant 352 : i32
    %dma_start3A_147 = tpu.memref_slice %arg7[%dma_start3A_146] : memref<512xi32, #tpu.memory_space<vmem>> -> memref<32xi32, #tpu.memory_space<vmem>>
    %dma_start3A_148 = arith.constant 0 : i32
    %dma_start3A_149 = arith.constant 0 : i32
    %dma_start3A_150 = tpu.memref_slice %arg4[%dma_start3A_148, %dma_start3A_149] : memref<32000x512xf32, #tpu.memory_space<hbm>> -> memref<32000x512xf32, #tpu.memory_space<hbm>>
    tpu.enqueue_indirect_dma source(%dma_start3A_150 : memref<32000x512xf32, #tpu.memory_space<hbm>>) target(%arg13 : memref<32x512xf32, #tpu.memory_space<vmem>>) offsets(%dma_start3A_147 : memref<32xi32, #tpu.memory_space<vmem>>) semaphore(%arg20 : memref<!tpu.dma_semaphore, #tpu.memory_space<semaphore_mem>>)
    %dma_wait3A_151 = arith.constant 192 : i32
    %dma_wait3A_152 = tpu.memref_slice %arg7[%dma_wait3A_151] : memref<512xi32, #tpu.memory_space<vmem>> -> memref<32xi32, #tpu.memory_space<vmem>>
    %dma_wait3A_153 = arith.constant 0 : i32
    %dma_wait3A_154 = arith.constant 0 : i32
    %dma_wait3A_155 = tpu.memref_slice %arg4[%dma_wait3A_153, %dma_wait3A_154] : memref<32000x512xf32, #tpu.memory_space<hbm>> -> memref<32000x512xf32, #tpu.memory_space<hbm>>
    tpu.wait_indirect_dma semaphore(%arg22 : memref<!tpu.dma_semaphore, #tpu.memory_space<semaphore_mem>>) src(%dma_wait3A_155 : memref<32000x512xf32, #tpu.memory_space<hbm>>) dst(%arg15 : memref<32x512xf32, #tpu.memory_space<vmem>>)
    %add3A_156 = arith.constant 192 : i32
    %add3A_157 = arith.addi %mul3A_2, %add3A_156 : i32
    %dma_start3A_158 = arith.constant 0 : i32
    %dma_start3A_159 = tpu.memref_slice %arg5[%add3A_157, %dma_start3A_158] : memref<16384x512xf32, #tpu.memory_space<hbm>> -> memref<32x512xf32, #tpu.memory_space<hbm>>
    %dma_start3A_160 = arith.constant 0 : i32
    %dma_start3A_161 = tpu.memref_slice %arg5[%add3A_157, %dma_start3A_160] : memref<16384x512xf32, #tpu.memory_space<hbm>> -> memref<32x512xf32, #tpu.memory_space<hbm>>
    tpu.enqueue_dma source(%arg15 : memref<32x512xf32, #tpu.memory_space<vmem>>) target(%dma_start3A_161 : memref<32x512xf32, #tpu.memory_space<hbm>>) target_semaphore(%arg29 : memref<!tpu.dma_semaphore, #tpu.memory_space<semaphore_mem>>)
    %dma_wait3A_162 = arith.constant 0 : i32
    %dma_wait3A_163 = tpu.memref_slice %arg5[%add3A_137, %dma_wait3A_162] : memref<16384x512xf32, #tpu.memory_space<hbm>> -> memref<32x512xf32, #tpu.memory_space<hbm>>
    %dma_wait3A_164 = arith.constant 0 : i32
    %dma_wait3A_165 = tpu.memref_slice %arg5[%add3A_137, %dma_wait3A_164] : memref<16384x512xf32, #tpu.memory_space<hbm>> -> memref<32x512xf32, #tpu.memory_space<hbm>>
    tpu.wait_dma2 semaphore(%arg28 : memref<!tpu.dma_semaphore, #tpu.memory_space<semaphore_mem>>) src(%arg14 : memref<32x512xf32, #tpu.memory_space<vmem>>) dst(%dma_wait3A_165 : memref<32x512xf32, #tpu.memory_space<hbm>>)
    %dma_start3A_166 = arith.constant 384 : i32
    %dma_start3A_167 = tpu.memref_slice %arg7[%dma_start3A_166] : memref<512xi32, #tpu.memory_space<vmem>> -> memref<32xi32, #tpu.memory_space<vmem>>
    %dma_start3A_168 = arith.constant 0 : i32
    %dma_start3A_169 = arith.constant 0 : i32
    %dma_start3A_170 = tpu.memref_slice %arg4[%dma_start3A_168, %dma_start3A_169] : memref<32000x512xf32, #tpu.memory_space<hbm>> -> memref<32000x512xf32, #tpu.memory_space<hbm>>
    tpu.enqueue_indirect_dma source(%dma_start3A_170 : memref<32000x512xf32, #tpu.memory_space<hbm>>) target(%arg14 : memref<32x512xf32, #tpu.memory_space<vmem>>) offsets(%dma_start3A_167 : memref<32xi32, #tpu.memory_space<vmem>>) semaphore(%arg21 : memref<!tpu.dma_semaphore, #tpu.memory_space<semaphore_mem>>)
    %dma_wait3A_171 = arith.constant 224 : i32
    %dma_wait3A_172 = tpu.memref_slice %arg7[%dma_wait3A_171] : memref<512xi32, #tpu.memory_space<vmem>> -> memref<32xi32, #tpu.memory_space<vmem>>
    %dma_wait3A_173 = arith.constant 0 : i32
    %dma_wait3A_174 = arith.constant 0 : i32
    %dma_wait3A_175 = tpu.memref_slice %arg4[%dma_wait3A_173, %dma_wait3A_174] : memref<32000x512xf32, #tpu.memory_space<hbm>> -> memref<32000x512xf32, #tpu.memory_space<hbm>>
    tpu.wait_indirect_dma semaphore(%arg16 : memref<!tpu.dma_semaphore, #tpu.memory_space<semaphore_mem>>) src(%dma_wait3A_175 : memref<32000x512xf32, #tpu.memory_space<hbm>>) dst(%arg9 : memref<32x512xf32, #tpu.memory_space<vmem>>)
    %add3A_176 = arith.constant 224 : i32
    %add3A_177 = arith.addi %mul3A_2, %add3A_176 : i32
    %dma_start3A_178 = arith.constant 0 : i32
    %dma_start3A_179 = tpu.memref_slice %arg5[%add3A_177, %dma_start3A_178] : memref<16384x512xf32, #tpu.memory_space<hbm>> -> memref<32x512xf32, #tpu.memory_space<hbm>>
    %dma_start3A_180 = arith.constant 0 : i32
    %dma_start3A_181 = tpu.memref_slice %arg5[%add3A_177, %dma_start3A_180] : memref<16384x512xf32, #tpu.memory_space<hbm>> -> memref<32x512xf32, #tpu.memory_space<hbm>>
    tpu.enqueue_dma source(%arg9 : memref<32x512xf32, #tpu.memory_space<vmem>>) target(%dma_start3A_181 : memref<32x512xf32, #tpu.memory_space<hbm>>) target_semaphore(%arg23 : memref<!tpu.dma_semaphore, #tpu.memory_space<semaphore_mem>>)
    %dma_wait3A_182 = arith.constant 0 : i32
    %dma_wait3A_183 = tpu.memref_slice %arg5[%add3A_157, %dma_wait3A_182] : memref<16384x512xf32, #tpu.memory_space<hbm>> -> memref<32x512xf32, #tpu.memory_space<hbm>>
    %dma_wait3A_184 = arith.constant 0 : i32
    %dma_wait3A_185 = tpu.memref_slice %arg5[%add3A_157, %dma_wait3A_184] : memref<16384x512xf32, #tpu.memory_space<hbm>> -> memref<32x512xf32, #tpu.memory_space<hbm>>
    tpu.wait_dma2 semaphore(%arg29 : memref<!tpu.dma_semaphore, #tpu.memory_space<semaphore_mem>>) src(%arg15 : memref<32x512xf32, #tpu.memory_space<vmem>>) dst(%dma_wait3A_185 : memref<32x512xf32, #tpu.memory_space<hbm>>)
    %dma_start3A_186 = arith.constant 416 : i32
    %dma_start3A_187 = tpu.memref_slice %arg7[%dma_start3A_186] : memref<512xi32, #tpu.memory_space<vmem>> -> memref<32xi32, #tpu.memory_space<vmem>>
    %dma_start3A_188 = arith.constant 0 : i32
    %dma_start3A_189 = arith.constant 0 : i32
    %dma_start3A_190 = tpu.memref_slice %arg4[%dma_start3A_188, %dma_start3A_189] : memref<32000x512xf32, #tpu.memory_space<hbm>> -> memref<32000x512xf32, #tpu.memory_space<hbm>>
    tpu.enqueue_indirect_dma source(%dma_start3A_190 : memref<32000x512xf32, #tpu.memory_space<hbm>>) target(%arg15 : memref<32x512xf32, #tpu.memory_space<vmem>>) offsets(%dma_start3A_187 : memref<32xi32, #tpu.memory_space<vmem>>) semaphore(%arg22 : memref<!tpu.dma_semaphore, #tpu.memory_space<semaphore_mem>>)
    %dma_wait3A_191 = arith.constant 256 : i32
    %dma_wait3A_192 = tpu.memref_slice %arg7[%dma_wait3A_191] : memref<512xi32, #tpu.memory_space<vmem>> -> memref<32xi32, #tpu.memory_space<vmem>>
    %dma_wait3A_193 = arith.constant 0 : i32
    %dma_wait3A_194 = arith.constant 0 : i32
    %dma_wait3A_195 = tpu.memref_slice %arg4[%dma_wait3A_193, %dma_wait3A_194] : memref<32000x512xf32, #tpu.memory_space<hbm>> -> memref<32000x512xf32, #tpu.memory_space<hbm>>
    tpu.wait_indirect_dma semaphore(%arg17 : memref<!tpu.dma_semaphore, #tpu.memory_space<semaphore_mem>>) src(%dma_wait3A_195 : memref<32000x512xf32, #tpu.memory_space<hbm>>) dst(%arg10 : memref<32x512xf32, #tpu.memory_space<vmem>>)
    %add3A_196 = arith.constant 256 : i32
    %add3A_197 = arith.addi %mul3A_2, %add3A_196 : i32
    %dma_start3A_198 = arith.constant 0 : i32
    %dma_start3A_199 = tpu.memref_slice %arg5[%add3A_197, %dma_start3A_198] : memref<16384x512xf32, #tpu.memory_space<hbm>> -> memref<32x512xf32, #tpu.memory_space<hbm>>
    %dma_start3A_200 = arith.constant 0 : i32
    %dma_start3A_201 = tpu.memref_slice %arg5[%add3A_197, %dma_start3A_200] : memref<16384x512xf32, #tpu.memory_space<hbm>> -> memref<32x512xf32, #tpu.memory_space<hbm>>
    tpu.enqueue_dma source(%arg10 : memref<32x512xf32, #tpu.memory_space<vmem>>) target(%dma_start3A_201 : memref<32x512xf32, #tpu.memory_space<hbm>>) target_semaphore(%arg24 : memref<!tpu.dma_semaphore, #tpu.memory_space<semaphore_mem>>)
    %dma_wait3A_202 = arith.constant 0 : i32
    %dma_wait3A_203 = tpu.memref_slice %arg5[%add3A_177, %dma_wait3A_202] : memref<16384x512xf32, #tpu.memory_space<hbm>> -> memref<32x512xf32, #tpu.memory_space<hbm>>
    %dma_wait3A_204 = arith.constant 0 : i32
    %dma_wait3A_205 = tpu.memref_slice %arg5[%add3A_177, %dma_wait3A_204] : memref<16384x512xf32, #tpu.memory_space<hbm>> -> memref<32x512xf32, #tpu.memory_space<hbm>>
    tpu.wait_dma2 semaphore(%arg23 : memref<!tpu.dma_semaphore, #tpu.memory_space<semaphore_mem>>) src(%arg9 : memref<32x512xf32, #tpu.memory_space<vmem>>) dst(%dma_wait3A_205 : memref<32x512xf32, #tpu.memory_space<hbm>>)
    %dma_start3A_206 = arith.constant 448 : i32
    %dma_start3A_207 = tpu.memref_slice %arg7[%dma_start3A_206] : memref<512xi32, #tpu.memory_space<vmem>> -> memref<32xi32, #tpu.memory_space<vmem>>
    %dma_start3A_208 = arith.constant 0 : i32
    %dma_start3A_209 = arith.constant 0 : i32
    %dma_start3A_210 = tpu.memref_slice %arg4[%dma_start3A_208, %dma_start3A_209] : memref<32000x512xf32, #tpu.memory_space<hbm>> -> memref<32000x512xf32, #tpu.memory_space<hbm>>
    tpu.enqueue_indirect_dma source(%dma_start3A_210 : memref<32000x512xf32, #tpu.memory_space<hbm>>) target(%arg9 : memref<32x512xf32, #tpu.memory_space<vmem>>) offsets(%dma_start3A_207 : memref<32xi32, #tpu.memory_space<vmem>>) semaphore(%arg16 : memref<!tpu.dma_semaphore, #tpu.memory_space<semaphore_mem>>)
    %dma_wait3A_211 = arith.constant 288 : i32
    %dma_wait3A_212 = tpu.memref_slice %arg7[%dma_wait3A_211] : memref<512xi32, #tpu.memory_space<vmem>> -> memref<32xi32, #tpu.memory_space<vmem>>
    %dma_wait3A_213 = arith.constant 0 : i32
    %dma_wait3A_214 = arith.constant 0 : i32
    %dma_wait3A_215 = tpu.memref_slice %arg4[%dma_wait3A_213, %dma_wait3A_214] : memref<32000x512xf32, #tpu.memory_space<hbm>> -> memref<32000x512xf32, #tpu.memory_space<hbm>>
    tpu.wait_indirect_dma semaphore(%arg18 : memref<!tpu.dma_semaphore, #tpu.memory_space<semaphore_mem>>) src(%dma_wait3A_215 : memref<32000x512xf32, #tpu.memory_space<hbm>>) dst(%arg11 : memref<32x512xf32, #tpu.memory_space<vmem>>)
    %add3A_216 = arith.constant 288 : i32
    %add3A_217 = arith.addi %mul3A_2, %add3A_216 : i32
    %dma_start3A_218 = arith.constant 0 : i32
    %dma_start3A_219 = tpu.memref_slice %arg5[%add3A_217, %dma_start3A_218] : memref<16384x512xf32, #tpu.memory_space<hbm>> -> memref<32x512xf32, #tpu.memory_space<hbm>>
    %dma_start3A_220 = arith.constant 0 : i32
    %dma_start3A_221 = tpu.memref_slice %arg5[%add3A_217, %dma_start3A_220] : memref<16384x512xf32, #tpu.memory_space<hbm>> -> memref<32x512xf32, #tpu.memory_space<hbm>>
    tpu.enqueue_dma source(%arg11 : memref<32x512xf32, #tpu.memory_space<vmem>>) target(%dma_start3A_221 : memref<32x512xf32, #tpu.memory_space<hbm>>) target_semaphore(%arg25 : memref<!tpu.dma_semaphore, #tpu.memory_space<semaphore_mem>>)
    %dma_wait3A_222 = arith.constant 0 : i32
    %dma_wait3A_223 = tpu.memref_slice %arg5[%add3A_197, %dma_wait3A_222] : memref<16384x512xf32, #tpu.memory_space<hbm>> -> memref<32x512xf32, #tpu.memory_space<hbm>>
    %dma_wait3A_224 = arith.constant 0 : i32
    %dma_wait3A_225 = tpu.memref_slice %arg5[%add3A_197, %dma_wait3A_224] : memref<16384x512xf32, #tpu.memory_space<hbm>> -> memref<32x512xf32, #tpu.memory_space<hbm>>
    tpu.wait_dma2 semaphore(%arg24 : memref<!tpu.dma_semaphore, #tpu.memory_space<semaphore_mem>>) src(%arg10 : memref<32x512xf32, #tpu.memory_space<vmem>>) dst(%dma_wait3A_225 : memref<32x512xf32, #tpu.memory_space<hbm>>)
    %dma_start3A_226 = arith.constant 480 : i32
    %dma_start3A_227 = tpu.memref_slice %arg7[%dma_start3A_226] : memref<512xi32, #tpu.memory_space<vmem>> -> memref<32xi32, #tpu.memory_space<vmem>>
    %dma_start3A_228 = arith.constant 0 : i32
    %dma_start3A_229 = arith.constant 0 : i32
    %dma_start3A_230 = tpu.memref_slice %arg4[%dma_start3A_228, %dma_start3A_229] : memref<32000x512xf32, #tpu.memory_space<hbm>> -> memref<32000x512xf32, #tpu.memory_space<hbm>>
    tpu.enqueue_indirect_dma source(%dma_start3A_230 : memref<32000x512xf32, #tpu.memory_space<hbm>>) target(%arg10 : memref<32x512xf32, #tpu.memory_space<vmem>>) offsets(%dma_start3A_227 : memref<32xi32, #tpu.memory_space<vmem>>) semaphore(%arg17 : memref<!tpu.dma_semaphore, #tpu.memory_space<semaphore_mem>>)
    %dma_wait3A_231 = arith.constant 320 : i32
    %dma_wait3A_232 = tpu.memref_slice %arg7[%dma_wait3A_231] : memref<512xi32, #tpu.memory_space<vmem>> -> memref<32xi32, #tpu.memory_space<vmem>>
    %dma_wait3A_233 = arith.constant 0 : i32
    %dma_wait3A_234 = arith.constant 0 : i32
    %dma_wait3A_235 = tpu.memref_slice %arg4[%dma_wait3A_233, %dma_wait3A_234] : memref<32000x512xf32, #tpu.memory_space<hbm>> -> memref<32000x512xf32, #tpu.memory_space<hbm>>
    tpu.wait_indirect_dma semaphore(%arg19 : memref<!tpu.dma_semaphore, #tpu.memory_space<semaphore_mem>>) src(%dma_wait3A_235 : memref<32000x512xf32, #tpu.memory_space<hbm>>) dst(%arg12 : memref<32x512xf32, #tpu.memory_space<vmem>>)
    %add3A_236 = arith.constant 320 : i32
    %add3A_237 = arith.addi %mul3A_2, %add3A_236 : i32
    %dma_start3A_238 = arith.constant 0 : i32
    %dma_start3A_239 = tpu.memref_slice %arg5[%add3A_237, %dma_start3A_238] : memref<16384x512xf32, #tpu.memory_space<hbm>> -> memref<32x512xf32, #tpu.memory_space<hbm>>
    %dma_start3A_240 = arith.constant 0 : i32
    %dma_start3A_241 = tpu.memref_slice %arg5[%add3A_237, %dma_start3A_240] : memref<16384x512xf32, #tpu.memory_space<hbm>> -> memref<32x512xf32, #tpu.memory_space<hbm>>
    tpu.enqueue_dma source(%arg12 : memref<32x512xf32, #tpu.memory_space<vmem>>) target(%dma_start3A_241 : memref<32x512xf32, #tpu.memory_space<hbm>>) target_semaphore(%arg26 : memref<!tpu.dma_semaphore, #tpu.memory_space<semaphore_mem>>)
    %dma_wait3A_242 = arith.constant 352 : i32
    %dma_wait3A_243 = tpu.memref_slice %arg7[%dma_wait3A_242] : memref<512xi32, #tpu.memory_space<vmem>> -> memref<32xi32, #tpu.memory_space<vmem>>
    %dma_wait3A_244 = arith.constant 0 : i32
    %dma_wait3A_245 = arith.constant 0 : i32
    %dma_wait3A_246 = tpu.memref_slice %arg4[%dma_wait3A_244, %dma_wait3A_245] : memref<32000x512xf32, #tpu.memory_space<hbm>> -> memref<32000x512xf32, #tpu.memory_space<hbm>>
    tpu.wait_indirect_dma semaphore(%arg20 : memref<!tpu.dma_semaphore, #tpu.memory_space<semaphore_mem>>) src(%dma_wait3A_246 : memref<32000x512xf32, #tpu.memory_space<hbm>>) dst(%arg13 : memref<32x512xf32, #tpu.memory_space<vmem>>)
    %add3A_247 = arith.constant 352 : i32
    %add3A_248 = arith.addi %mul3A_2, %add3A_247 : i32
    %dma_start3A_249 = arith.constant 0 : i32
    %dma_start3A_250 = tpu.memref_slice %arg5[%add3A_248, %dma_start3A_249] : memref<16384x512xf32, #tpu.memory_space<hbm>> -> memref<32x512xf32, #tpu.memory_space<hbm>>
    %dma_start3A_251 = arith.constant 0 : i32
    %dma_start3A_252 = tpu.memref_slice %arg5[%add3A_248, %dma_start3A_251] : memref<16384x512xf32, #tpu.memory_space<hbm>> -> memref<32x512xf32, #tpu.memory_space<hbm>>
    tpu.enqueue_dma source(%arg13 : memref<32x512xf32, #tpu.memory_space<vmem>>) target(%dma_start3A_252 : memref<32x512xf32, #tpu.memory_space<hbm>>) target_semaphore(%arg27 : memref<!tpu.dma_semaphore, #tpu.memory_space<semaphore_mem>>)
    %dma_wait3A_253 = arith.constant 384 : i32
    %dma_wait3A_254 = tpu.memref_slice %arg7[%dma_wait3A_253] : memref<512xi32, #tpu.memory_space<vmem>> -> memref<32xi32, #tpu.memory_space<vmem>>
    %dma_wait3A_255 = arith.constant 0 : i32
    %dma_wait3A_256 = arith.constant 0 : i32
    %dma_wait3A_257 = tpu.memref_slice %arg4[%dma_wait3A_255, %dma_wait3A_256] : memref<32000x512xf32, #tpu.memory_space<hbm>> -> memref<32000x512xf32, #tpu.memory_space<hbm>>
    tpu.wait_indirect_dma semaphore(%arg21 : memref<!tpu.dma_semaphore, #tpu.memory_space<semaphore_mem>>) src(%dma_wait3A_257 : memref<32000x512xf32, #tpu.memory_space<hbm>>) dst(%arg14 : memref<32x512xf32, #tpu.memory_space<vmem>>)
    %add3A_258 = arith.constant 384 : i32
    %add3A_259 = arith.addi %mul3A_2, %add3A_258 : i32
    %dma_start3A_260 = arith.constant 0 : i32
    %dma_start3A_261 = tpu.memref_slice %arg5[%add3A_259, %dma_start3A_260] : memref<16384x512xf32, #tpu.memory_space<hbm>> -> memref<32x512xf32, #tpu.memory_space<hbm>>
    %dma_start3A_262 = arith.constant 0 : i32
    %dma_start3A_263 = tpu.memref_slice %arg5[%add3A_259, %dma_start3A_262] : memref<16384x512xf32, #tpu.memory_space<hbm>> -> memref<32x512xf32, #tpu.memory_space<hbm>>
    tpu.enqueue_dma source(%arg14 : memref<32x512xf32, #tpu.memory_space<vmem>>) target(%dma_start3A_263 : memref<32x512xf32, #tpu.memory_space<hbm>>) target_semaphore(%arg28 : memref<!tpu.dma_semaphore, #tpu.memory_space<semaphore_mem>>)
    %dma_wait3A_264 = arith.constant 416 : i32
    %dma_wait3A_265 = tpu.memref_slice %arg7[%dma_wait3A_264] : memref<512xi32, #tpu.memory_space<vmem>> -> memref<32xi32, #tpu.memory_space<vmem>>
    %dma_wait3A_266 = arith.constant 0 : i32
    %dma_wait3A_267 = arith.constant 0 : i32
    %dma_wait3A_268 = tpu.memref_slice %arg4[%dma_wait3A_266, %dma_wait3A_267] : memref<32000x512xf32, #tpu.memory_space<hbm>> -> memref<32000x512xf32, #tpu.memory_space<hbm>>
    tpu.wait_indirect_dma semaphore(%arg22 : memref<!tpu.dma_semaphore, #tpu.memory_space<semaphore_mem>>) src(%dma_wait3A_268 : memref<32000x512xf32, #tpu.memory_space<hbm>>) dst(%arg15 : memref<32x512xf32, #tpu.memory_space<vmem>>)
    %add3A_269 = arith.constant 416 : i32
    %add3A_270 = arith.addi %mul3A_2, %add3A_269 : i32
    %dma_start3A_271 = arith.constant 0 : i32
    %dma_start3A_272 = tpu.memref_slice %arg5[%add3A_270, %dma_start3A_271] : memref<16384x512xf32, #tpu.memory_space<hbm>> -> memref<32x512xf32, #tpu.memory_space<hbm>>
    %dma_start3A_273 = arith.constant 0 : i32
    %dma_start3A_274 = tpu.memref_slice %arg5[%add3A_270, %dma_start3A_273] : memref<16384x512xf32, #tpu.memory_space<hbm>> -> memref<32x512xf32, #tpu.memory_space<hbm>>
    tpu.enqueue_dma source(%arg15 : memref<32x512xf32, #tpu.memory_space<vmem>>) target(%dma_start3A_274 : memref<32x512xf32, #tpu.memory_space<hbm>>) target_semaphore(%arg29 : memref<!tpu.dma_semaphore, #tpu.memory_space<semaphore_mem>>)
    %dma_wait3A_275 = arith.constant 448 : i32
    %dma_wait3A_276 = tpu.memref_slice %arg7[%dma_wait3A_275] : memref<512xi32, #tpu.memory_space<vmem>> -> memref<32xi32, #tpu.memory_space<vmem>>
    %dma_wait3A_277 = arith.constant 0 : i32
    %dma_wait3A_278 = arith.constant 0 : i32
    %dma_wait3A_279 = tpu.memref_slice %arg4[%dma_wait3A_277, %dma_wait3A_278] : memref<32000x512xf32, #tpu.memory_space<hbm>> -> memref<32000x512xf32, #tpu.memory_space<hbm>>
    tpu.wait_indirect_dma semaphore(%arg16 : memref<!tpu.dma_semaphore, #tpu.memory_space<semaphore_mem>>) src(%dma_wait3A_279 : memref<32000x512xf32, #tpu.memory_space<hbm>>) dst(%arg9 : memref<32x512xf32, #tpu.memory_space<vmem>>)
    %add3A_280 = arith.constant 448 : i32
    %add3A_281 = arith.addi %mul3A_2, %add3A_280 : i32
    %dma_start3A_282 = arith.constant 0 : i32
    %dma_start3A_283 = tpu.memref_slice %arg5[%add3A_281, %dma_start3A_282] : memref<16384x512xf32, #tpu.memory_space<hbm>> -> memref<32x512xf32, #tpu.memory_space<hbm>>
    %dma_start3A_284 = arith.constant 0 : i32
    %dma_start3A_285 = tpu.memref_slice %arg5[%add3A_281, %dma_start3A_284] : memref<16384x512xf32, #tpu.memory_space<hbm>> -> memref<32x512xf32, #tpu.memory_space<hbm>>
    tpu.enqueue_dma source(%arg9 : memref<32x512xf32, #tpu.memory_space<vmem>>) target(%dma_start3A_285 : memref<32x512xf32, #tpu.memory_space<hbm>>) target_semaphore(%arg23 : memref<!tpu.dma_semaphore, #tpu.memory_space<semaphore_mem>>)
    %dma_wait3A_286 = arith.constant 480 : i32
    %dma_wait3A_287 = tpu.memref_slice %arg7[%dma_wait3A_286] : memref<512xi32, #tpu.memory_space<vmem>> -> memref<32xi32, #tpu.memory_space<vmem>>
    %dma_wait3A_288 = arith.constant 0 : i32
    %dma_wait3A_289 = arith.constant 0 : i32
    %dma_wait3A_290 = tpu.memref_slice %arg4[%dma_wait3A_288, %dma_wait3A_289] : memref<32000x512xf32, #tpu.memory_space<hbm>> -> memref<32000x512xf32, #tpu.memory_space<hbm>>
    tpu.wait_indirect_dma semaphore(%arg17 : memref<!tpu.dma_semaphore, #tpu.memory_space<semaphore_mem>>) src(%dma_wait3A_290 : memref<32000x512xf32, #tpu.memory_space<hbm>>) dst(%arg10 : memref<32x512xf32, #tpu.memory_space<vmem>>)
    %add3A_291 = arith.constant 480 : i32
    %add3A_292 = arith.addi %mul3A_2, %add3A_291 : i32
    %dma_start3A_293 = arith.constant 0 : i32
    %dma_start3A_294 = tpu.memref_slice %arg5[%add3A_292, %dma_start3A_293] : memref<16384x512xf32, #tpu.memory_space<hbm>> -> memref<32x512xf32, #tpu.memory_space<hbm>>
    %dma_start3A_295 = arith.constant 0 : i32
    %dma_start3A_296 = tpu.memref_slice %arg5[%add3A_292, %dma_start3A_295] : memref<16384x512xf32, #tpu.memory_space<hbm>> -> memref<32x512xf32, #tpu.memory_space<hbm>>
    tpu.enqueue_dma source(%arg10 : memref<32x512xf32, #tpu.memory_space<vmem>>) target(%dma_start3A_296 : memref<32x512xf32, #tpu.memory_space<hbm>>) target_semaphore(%arg24 : memref<!tpu.dma_semaphore, #tpu.memory_space<semaphore_mem>>)
    %eq3A = arith.constant 0 : i32
    %eq3A_297 = arith.cmpi eq, %add3A, %eq3A : i32
    %convert_element_type3A = arith.extui %eq3A_297 : i1 to i32
    %cond3A = arith.constant 0 : i32
    %cond3A_298 = arith.cmpi ne, %convert_element_type3A, %cond3A : i32
    scf.if %cond3A_298 {
      "tpu.region"() ({
        %run_scoped3A = tpu.sem_alloc : memref<!tpu.dma_semaphore, #tpu.memory_space<semaphore_mem>>
        tpu.enqueue_dma source(%arg3 : memref<17xi32, #tpu.memory_space<hbm>>) target(%arg8 : memref<17xi32, #tpu.memory_space<vmem>>) target_semaphore(%run_scoped3A : memref<!tpu.dma_semaphore, #tpu.memory_space<semaphore_mem>>)
        tpu.wait_dma2 semaphore(%run_scoped3A : memref<!tpu.dma_semaphore, #tpu.memory_space<semaphore_mem>>) src(%arg3 : memref<17xi32, #tpu.memory_space<hbm>>) dst(%arg8 : memref<17xi32, #tpu.memory_space<vmem>>)
        tpu.yield
      }) : () -> ()
      "tpu.region"() ({
        %run_scoped3A = tpu.sem_alloc : memref<!tpu.dma_semaphore, #tpu.memory_space<semaphore_mem>>
        tpu.enqueue_dma source(%arg8 : memref<17xi32, #tpu.memory_space<vmem>>) target(%arg6 : memref<17xi32, #tpu.memory_space<hbm>>) target_semaphore(%run_scoped3A : memref<!tpu.dma_semaphore, #tpu.memory_space<semaphore_mem>>)
        tpu.wait_dma2 semaphore(%run_scoped3A : memref<!tpu.dma_semaphore, #tpu.memory_space<semaphore_mem>>) src(%arg8 : memref<17xi32, #tpu.memory_space<vmem>>) dst(%arg6 : memref<17xi32, #tpu.memory_space<hbm>>)
        tpu.yield
      }) : () -> ()
    } else {
    }
    %dma_wait3A_299 = arith.constant 0 : i32
    %dma_wait3A_300 = tpu.memref_slice %arg5[%add3A_217, %dma_wait3A_299] : memref<16384x512xf32, #tpu.memory_space<hbm>> -> memref<32x512xf32, #tpu.memory_space<hbm>>
    %dma_wait3A_301 = arith.constant 0 : i32
    %dma_wait3A_302 = tpu.memref_slice %arg5[%add3A_217, %dma_wait3A_301] : memref<16384x512xf32, #tpu.memory_space<hbm>> -> memref<32x512xf32, #tpu.memory_space<hbm>>
    tpu.wait_dma2 semaphore(%arg25 : memref<!tpu.dma_semaphore, #tpu.memory_space<semaphore_mem>>) src(%arg11 : memref<32x512xf32, #tpu.memory_space<vmem>>) dst(%dma_wait3A_302 : memref<32x512xf32, #tpu.memory_space<hbm>>)
    %dma_wait3A_303 = arith.constant 0 : i32
    %dma_wait3A_304 = tpu.memref_slice %arg5[%add3A_237, %dma_wait3A_303] : memref<16384x512xf32, #tpu.memory_space<hbm>> -> memref<32x512xf32, #tpu.memory_space<hbm>>
    %dma_wait3A_305 = arith.constant 0 : i32
    %dma_wait3A_306 = tpu.memref_slice %arg5[%add3A_237, %dma_wait3A_305] : memref<16384x512xf32, #tpu.memory_space<hbm>> -> memref<32x512xf32, #tpu.memory_space<hbm>>
    tpu.wait_dma2 semaphore(%arg26 : memref<!tpu.dma_semaphore, #tpu.memory_space<semaphore_mem>>) src(%arg12 : memref<32x512xf32, #tpu.memory_space<vmem>>) dst(%dma_wait3A_306 : memref<32x512xf32, #tpu.memory_space<hbm>>)
    %dma_wait3A_307 = arith.constant 0 : i32
    %dma_wait3A_308 = tpu.memref_slice %arg5[%add3A_248, %dma_wait3A_307] : memref<16384x512xf32, #tpu.memory_space<hbm>> -> memref<32x512xf32, #tpu.memory_space<hbm>>
    %dma_wait3A_309 = arith.constant 0 : i32
    %dma_wait3A_310 = tpu.memref_slice %arg5[%add3A_248, %dma_wait3A_309] : memref<16384x512xf32, #tpu.memory_space<hbm>> -> memref<32x512xf32, #tpu.memory_space<hbm>>
    tpu.wait_dma2 semaphore(%arg27 : memref<!tpu.dma_semaphore, #tpu.memory_space<semaphore_mem>>) src(%arg13 : memref<32x512xf32, #tpu.memory_space<vmem>>) dst(%dma_wait3A_310 : memref<32x512xf32, #tpu.memory_space<hbm>>)
    %dma_wait3A_311 = arith.constant 0 : i32
    %dma_wait3A_312 = tpu.memref_slice %arg5[%add3A_259, %dma_wait3A_311] : memref<16384x512xf32, #tpu.memory_space<hbm>> -> memref<32x512xf32, #tpu.memory_space<hbm>>
    %dma_wait3A_313 = arith.constant 0 : i32
    %dma_wait3A_314 = tpu.memref_slice %arg5[%add3A_259, %dma_wait3A_313] : memref<16384x512xf32, #tpu.memory_space<hbm>> -> memref<32x512xf32, #tpu.memory_space<hbm>>
    tpu.wait_dma2 semaphore(%arg28 : memref<!tpu.dma_semaphore, #tpu.memory_space<semaphore_mem>>) src(%arg14 : memref<32x512xf32, #tpu.memory_space<vmem>>) dst(%dma_wait3A_314 : memref<32x512xf32, #tpu.memory_space<hbm>>)
    %dma_wait3A_315 = arith.constant 0 : i32
    %dma_wait3A_316 = tpu.memref_slice %arg5[%add3A_270, %dma_wait3A_315] : memref<16384x512xf32, #tpu.memory_space<hbm>> -> memref<32x512xf32, #tpu.memory_space<hbm>>
    %dma_wait3A_317 = arith.constant 0 : i32
    %dma_wait3A_318 = tpu.memref_slice %arg5[%add3A_270, %dma_wait3A_317] : memref<16384x512xf32, #tpu.memory_space<hbm>> -> memref<32x512xf32, #tpu.memory_space<hbm>>
    tpu.wait_dma2 semaphore(%arg29 : memref<!tpu.dma_semaphore, #tpu.memory_space<semaphore_mem>>) src(%arg15 : memref<32x512xf32, #tpu.memory_space<vmem>>) dst(%dma_wait3A_318 : memref<32x512xf32, #tpu.memory_space<hbm>>)
    %dma_wait3A_319 = arith.constant 0 : i32
    %dma_wait3A_320 = tpu.memref_slice %arg5[%add3A_281, %dma_wait3A_319] : memref<16384x512xf32, #tpu.memory_space<hbm>> -> memref<32x512xf32, #tpu.memory_space<hbm>>
    %dma_wait3A_321 = arith.constant 0 : i32
    %dma_wait3A_322 = tpu.memref_slice %arg5[%add3A_281, %dma_wait3A_321] : memref<16384x512xf32, #tpu.memory_space<hbm>> -> memref<32x512xf32, #tpu.memory_space<hbm>>
    tpu.wait_dma2 semaphore(%arg23 : memref<!tpu.dma_semaphore, #tpu.memory_space<semaphore_mem>>) src(%arg9 : memref<32x512xf32, #tpu.memory_space<vmem>>) dst(%dma_wait3A_322 : memref<32x512xf32, #tpu.memory_space<hbm>>)
    %dma_wait3A_323 = arith.constant 0 : i32
    %dma_wait3A_324 = tpu.memref_slice %arg5[%add3A_292, %dma_wait3A_323] : memref<16384x512xf32, #tpu.memory_space<hbm>> -> memref<32x512xf32, #tpu.memory_space<hbm>>
    %dma_wait3A_325 = arith.constant 0 : i32
    %dma_wait3A_326 = tpu.memref_slice %arg5[%add3A_292, %dma_wait3A_325] : memref<16384x512xf32, #tpu.memory_space<hbm>> -> memref<32x512xf32, #tpu.memory_space<hbm>>
    tpu.wait_dma2 semaphore(%arg24 : memref<!tpu.dma_semaphore, #tpu.memory_space<semaphore_mem>>) src(%arg10 : memref<32x512xf32, #tpu.memory_space<vmem>>) dst(%dma_wait3A_326 : memref<32x512xf32, #tpu.memory_space<hbm>>)
    return
  }
}

</mosaic_0001>

<sc_bundles>
// kernel: _lookup.3.cloned.1.call-start
scs
__scs_entry_jumppad:
0x0: {  	(pc) =	sbr.rel $0x88, $3  }
0x1: {  	(tag) =	ssettag $0x0;
	lr =	simm.s32 $0x1  }
0x2: {  	[smem:$0x3F9E] =	sst lr;
	_ =	strace $0xD0000000  }
0x3: {  	_ = 	snop  }
0x4: {  	_ = 	snop  }
0x5: {  	_ = 	snop  }
0x6: {  	_ = 	snop  }
0x7: {  	_ = 	snop  }
__scs_overlays_trampoline_lowered:
0x8: {  	[smem:$0x3FAD] =	sst s0  }
0x9: {  	[smem:$0x3FAE] =	sst s1  }
0xa: {  	[smem:$0x3FAF] =	sst s2  }
0xb: {  	[smem:$0x3FB0] =	sst s3  }
0xc: {  	[smem:$0x3FB1] =	sst s4  }
0xd: {  	[smem:$0x3FB2] =	sst s5  }
0xe: {  	[smem:$0x3FB3] =	sst s6  }
0xf: {  	[smem:$0x3FB4] =	sst s7  }
0x10: {  	[smem:$0x3FB5] =	sst s8  }
0x11: {  	[smem:$0x3FB6] =	sst s9;
	s0 =	simm.s32 @!p0 $0x0  }
0x12: {  	s1 =	sld [smem:$0x3F9C];
	s0 =	simm.s32 @p0 $0x1  }
0x13: {  	[smem:$0x3FB7] =	sst s0;
	s0 =	simm.s32 @!p1 $0x0  }
0x14: {  	s2 =	sld [smem:$0x3F9B];
	s0 =	simm.s32 @p1 $0x1  }
0x15: {  	[smem:$0x3FB8] =	sst s0;
	s0 =	simm.s32 @!p2 $0x0  }
0x16: {  	s3 =	sld [smem:$0x3FDB];
	s0 =	simm.s32 @p2 $0x1  }
0x17: {  	s4 =	simm.s32 $0x1BF5;
	[smem:$0x3FBA] =	sst s0  }
0x18: {  	s0 =	sld [smem:$0x3F9D];
	_ =	swait.ge [sflag:s4], $0x0  }
0x19: {  	s7 =	sld [smem:$0x3F9E]  }
0x1a: {  	s8 =	sadd.s32 $0xFFFFE003, lr  }
0x1b: {  	s9 =	sadd.s32 $0xFFFFFEF7, lr;
	s5 =	simm.s32 $0xFFFFFFFF;
	p2 =	slt.u32 s8, $0xFFFFF086  }
0x1c: {  	p1 =	slt.u32 s9, $0xF7A;
	s5 =	simm.s32 @!p2 $0x0  }
0x1d: {  	s5 =	simm.s32 @p1 $0x1;
	p0 =	seq.s32 s7, s2  }
0x1e: {  	s7 =	smul.u32 @!p0 $0xF7A, s2;
	p2 =	seq.s32 @!p0 s5, $0x0  }
0x1f: {  	s9 =	smul.u32 $0xF7A, s1;
	s8 =	simm.s32 @!p0 $0x1BF5;
	p2 =	por !p2, p0  }
0x20: {  	[sflag:s8] =	ssyncset.s32 @!p0 $0xFFFFF086;
	s6 =	sadd.s32 @!p0 s3, s7;
	s7 =	simm.s32 @!p0 $0x108  }
0x21: {  	s3 =	sadd.s32 s3, s9;
	s6 =	sadd.s32 @!p0 $0x88, s6;
	s7 =	simm.s32 @p2 $0x1082  }
0x22: {  	[simem:s7], [sflag:s8] =	dma.local @!p0 [hbm:s6], $0xF7A  }
0x23: {  	s9 =	sor.u32 $0xD0000000, s2;
	s6 =	simm.s32 $0x108;
	_ =	swait.ge @!p0 [sflag:s8], $0x0  }
0x24: {  	s3 =	sadd.s32 $0x88, s3;
	s6 =	simm.s32 @!p1 $0x1082;
	[sflag:s4] =	ssyncset.s32 $0xFFFFF086  }
0x25: {  	[simem:s6], [sflag:s4] =	dma.local [hbm:s3], $0xF7A  }
0x26: {  	[smem:$0x3F9E] =	sst s1;
	(tag) =	ssettag s2;
	_ =	strace s9  }
0x27: {  	s1 =	sld [smem:$0x3FAE]  }
0x28: {  	s2 =	sld [smem:$0x3FAF]  }
0x29: {  	s4 =	sld [smem:$0x3FB1]  }
0x2a: {  	p0 =	seq.s32 s5, $0x0;
	s5 =	sld [smem:$0x3FB2]  }
0x2b: {  	s6 =	sld [smem:$0x3FB3]  }
0x2c: {  	s7 =	sld [smem:$0x3FB4]  }
0x2d: {  	s3 =	simm.s32 $0x108;
	s8 =	sld [smem:$0x3FB5]  }
0x2e: {  	s3 =	simm.s32 @!p0 $0x1082;
	s9 =	sld [smem:$0x3FB6]  }
0x2f: {  	lr =	sadd.s32 s0, s3;
	s0 =	sld [smem:$0x3FAD]  }
0x30: {  	s3 =	sld [smem:$0x3FB0]  }
0x31: {  	[smem:$0x3FB9] =	sst s10  }
0x32: {  	s10 =	sld [smem:$0x3FB7];
	_ =	sdelay $0x3  }
0x33: {  	p0 =	seq.s32 s10, $0x1;
	s10 =	sld [smem:$0x3FB9];
	_ =	sdelay $0x3  }
0x34: {  	[smem:$0x3FB9] =	sst s10  }
0x35: {  	s10 =	sld [smem:$0x3FB8];
	_ =	sdelay $0x3  }
0x36: {  	p1 =	seq.s32 s10, $0x1;
	s10 =	sld [smem:$0x3FB9];
	_ =	sdelay $0x3  }
0x37: {  	[smem:$0x3FB9] =	sst s10  }
0x38: {  	s10 =	sld [smem:$0x3FBA]  }
0x39: {  	_ = 	snop;
	(pc) =	sbr.ind lr, $3  }
0x3a: {  	_ = 	snop  }
0x3b: {  	_ = 	snop  }
0x3c: {  	p2 =	seq.s32 s10, $0x1;
	s10 =	sld [smem:$0x3FB9]  }
0x3d: {  	_ =	shalt  }
0x3e: {  	_ =	shalt  }
0x3f: {  	_ =	shalt  }
0x40: {  	_ =	shalt  }
0x41: {  	_ =	shalt  }
0x42: {  	_ =	shalt  }
0x43: {  	_ =	shalt  }
0x44: {  	_ =	shalt  }
0x45: {  	_ =	shalt  }
0x46: {  	_ =	shalt  }
0x47: {  	_ =	shalt  }
0x48: {  	_ =	shalt  }
0x49: {  	_ =	shalt  }
0x4a: {  	_ =	shalt  }
0x4b: {  	_ =	shalt  }
0x4c: {  	_ =	shalt  }
0x4d: {  	_ =	shalt  }
0x4e: {  	_ =	shalt  }
0x4f: {  	_ =	shalt  }
0x50: {  	_ =	shalt  }
0x51: {  	_ =	shalt  }
0x52: {  	_ =	shalt  }
0x53: {  	_ =	shalt  }
0x54: {  	_ =	shalt  }
0x55: {  	_ =	shalt  }
0x56: {  	_ =	shalt  }
0x57: {  	_ =	shalt  }
0x58: {  	_ =	shalt  }
0x59: {  	_ =	shalt  }
0x5a: {  	_ =	shalt  }
0x5b: {  	_ =	shalt  }
0x5c: {  	_ =	shalt  }
0x5d: {  	_ =	shalt  }
0x5e: {  	_ =	shalt  }
0x5f: {  	_ =	shalt  }
0x60: {  	_ =	shalt  }
0x61: {  	_ =	shalt  }
0x62: {  	_ =	shalt  }
0x63: {  	_ =	shalt  }
0x64: {  	_ =	shalt  }
0x65: {  	_ =	shalt  }
0x66: {  	_ =	shalt  }
0x67: {  	_ =	shalt  }
0x68: {  	_ =	shalt  }
0x69: {  	_ =	shalt  }
0x6a: {  	_ =	shalt  }
0x6b: {  	_ =	shalt  }
0x6c: {  	_ =	shalt  }
0x6d: {  	_ =	shalt  }
0x6e: {  	_ =	shalt  }
0x6f: {  	_ =	shalt  }
0x70: {  	_ =	shalt  }
0x71: {  	_ =	shalt  }
0x72: {  	_ =	shalt  }
0x73: {  	_ =	shalt  }
0x74: {  	_ =	shalt  }
0x75: {  	_ =	shalt  }
0x76: {  	_ =	shalt  }
0x77: {  	_ =	shalt  }
0x78: {  	_ =	shalt  }
0x79: {  	_ =	shalt  }
0x7a: {  	_ =	shalt  }
0x7b: {  	_ =	shalt  }
0x7c: {  	_ =	shalt  }
0x7d: {  	_ =	shalt  }
0x7e: {  	_ =	shalt  }
0x7f: {  	_ =	shalt  }
0x80: {  	_ =	shalt  }
0x81: {  	_ =	shalt  }
0x82: {  	_ =	shalt  }
0x83: {  	_ =	shalt  }
0x84: {  	_ =	shalt  }
0x85: {  	_ =	shalt  }
0x86: {  	_ =	shalt  }
0x87: {  	_ =	shalt  }
.Lfunc_end0:
.L_simem_size_0:
called_computation_lowered:
.L_overlay_start_0:
0x88: {  	s2 =	sld [smem:$0x3FD9]  }
0x89: {  	s3 =	sld [smem:$0x3FFE];
	_ =	sdelay $0x1  }
0x8a: {  	s1 =	srdreg.scid  }
0x8b: {  	s0 =	sand.u32 $0x1, s1  }
0x8c: {  	s15 =	sshll.u32 s0, $0xA;
	s2 =	sadd.s32 s3, s2  }
0x8d: {  	s2 =	sadd.s32 s2, s15  }
0x8e: {  	[smem:$0x3FC5] =	sst s2  }
0x8f: {  	_ = 	snop  }
0x90: {  	s2 =	sld [smem:$0x3FD0]  }
0x91: {  	s16 =	sld [smem:$0x3FC9]  }
0x92: {  	s4 =	sld [smem:$0x3FC8]  }
0x93: {  	s6 =	simm.s32 $0xA;
	s7 =	simm.s32 $0x10;
	s5 =	sld [smem:$0x3FC7]  }
0x94: {  	[smem:s7], [sflag:s6] =	dma.local [hbm:s2], $0x1  }
0x95: {  	_ =	swait.eq [sflag:s6], $0x1  }
0x96: {  	[sflag:s6] =	ssyncset.done $0x0  }
0x97: {  	s17 =	sld [smem:$0x10];
	[sflag:s6] =	ssyncadd.s32 $0xFFFFFFFF  }
0x98: {  	s18 =	sld [smem:$0x11];
	(tm) =	ssettm $0x1  }
0x99: {  	s19 =	sld [smem:$0x3FFB];
	_ =	sdelay $0x3  }
0x9a: {  	_ =	strace s19  }
0x9b: {  	s7 =	sld [smem:$0x3FFC];
	_ =	sdelay $0x3  }
0x9c: {  	_ =	strace s7  }
0x9d: {  	s7 =	sld [smem:$0x3FFD];
	_ =	sdelay $0x3  }
0x9e: {  	_ =	strace s7  }
0x9f: {  	_ =	strace $0x8FFFFFFF  }
0xa0: {  	s20 =	sld [smem:$0x3FDB];
	_ =	sdelay $0x1  }
0xa1: {  	s8 =	simm.s32 $_scs_section_size  }
0xa2: {  	s9 =	simm.s32 $_size__tile_overlayer_lowered;
	s10 =	simm.s32 $_tile_overlayer_lowered  }
0xa3: {  	s23 =	simm.s32 $0x1BFF;
	s22 =	sshll.u32 s10, $0x1;
	s7 =	sadd.s32 s8, s20  }
0xa4: {  	s11 =	simm.s32 $0x0;
	s21 =	sshll.u32 s9, $0x1;
	s9 =	sadd.s32 s22, s7  }
0xa5: {  	[timem:s11], [sflag:s23] =	dma.local [hbm:s9], s21  }
0xa6: {  	_ =	swait.ge [sflag:s23], s21  }
0xa7: {  	s8 =	ssub.s32 $0x0, s21;
	[sflag:s23] =	ssyncset.done $0x0  }
0xa8: {  	[sflag:s23] =	ssyncadd.s32 s8;
	_ =	sdelay $0x1  }
0xa9: {  	s24 =	simm.s32 $0x1B8B  }
0xaa: {  	_ =	swait.ge [sflag:s24], $0x1  }
0xab: {  	[sflag:s24] =	ssyncset.done $0x0  }
0xac: {  	s25 =	simm.s32 $0x1B8E;
	[sflag:s24] =	ssyncadd.s32 $0xFFFFFFFF  }
0xad: {  	s26 =	simm.s32 $execute0_lowered;
	[smem:$0x3FD2] =	sst s25  }
0xae: {  	s8 =	sshll.u32 s26, $0x1;
	_ =	strace $0x80000046;
	[dreg:$0x1] =	wrdreg $0xFFFFFFFF  }
0xaf: {  	s28 =	simm.s32 $_size_execute0_lowered;
	s7 =	sadd.s32 s7, s8;
	[dreg:$0x0] =	wrdreg $0x0  }
0xb0: {  	s8 =	sshll.u32 s28, $0x1;
	[dreg:$0x2] =	wrdreg s7  }
0xb1: {  	[dreg:$0x3] =	wrdreg s8  }
0xb2: {  	[dreg:$0x4] =	wrdreg $0xC0  }
0xb3: {  	_ =	task [dreg:s11], $0x5FFFF  }
0xb4: {  	[dreg:$0x1] =	wrdreg $0xFFFFFFFF  }
0xb5: {  	[dreg:$0x0] =	wrdreg $0x60  }
0xb6: {  	[dreg:$0x2] =	wrdreg s16  }
0xb7: {  	[dreg:$0x3] =	wrdreg s4  }
0xb8: {  	[dreg:$0x4] =	wrdreg s5  }
0xb9: {  	[dreg:$0x5] =	wrdreg s17  }
0xba: {  	[dreg:$0x6] =	wrdreg s18  }
0xbb: {  	[dreg:$0x7] =	wrdreg $0x9  }
0xbc: {  	_ =	task.clear_ibuf [dreg:s11], $0x8FFFF;
	_ =	strace $0x90000046  }
0xbd: {  	s29 =	simm.s32 $0x9;
	_ =	strace $0x80000048  }
0xbe: {  	_ =	swait.ge [sflag:s29], $0x1  }
0xbf: {  	[sflag:s29] =	ssyncadd.s32 $0xFFFFFFFF  }
0xc0: {  	_ =	strace $0x90000048  }
0xc1: {  	_ =	sfence  }
0xc2: {  	s30 =	sld [smem:$0x0];
	_ =	sdelay $0x2  }
0xc3: {  	s31 =	sshll.u32 s1, $0xD;
	s1 =	sshrl.u32 s1, $0x2  }
0xc4: {  	s3 =	sand.u32 $0x4000, s31;
	s1 =	sadd.s32 s1, s30  }
0xc5: {  	s0 =	sor.u32 s3, s0;
	s1 =	sshll.u32 s1, $0x11  }
0xc6: {  	s0 =	sor.u32 s1, s0  }
0xc7: {  	s0 =	sadd.s32 $0x8F2B, s0  }
0xc8: {  	[sflag:s0] =	ssyncadd.remote.s32 $0x1  }
0xc9: {  	_ =	sfence.sel $0xFFFF  }
0xca: {  	[dreg:$0x0] =	wrdreg $0xFFFFFFFF;
	(pc) =	sbr.abs _section_cstart, $3  }
0xcb: {  	[dreg:$0x1] =	wrdreg $0xFFFFFFFF  }
0xcc: {  	_ =	task.clear_ibuf [dreg:s11], $0x2FFFF;
	_ =	strace $0x9FFFFFFF  }
0xcd: {  	(tm) =	ssettm $0x7FFFFFFF  }
tec
execute0_lowered:
.L_overlay_start_1:
0x0: {  	(tag) =	ssettag $0x1  }
0x1: {  	s0 =	rddreg [dreg:$0x0]  }
0x2: {  	s1 =	rddreg [dreg:$0x1]  }
0x3: {  	s2 =	rddreg [dreg:$0x3]  }
0x4: {  	s3 =	rddreg [dreg:$0x4]  }
0x5: {  	s4 =	srdreg.scid;
	s5 =	stileid.u32  }
0x6: {  	[dreg:$0x6] =	wrdreg s1;
	s4 =	sand.u32 $0x1, s4;
	s5 =	sshll.u32 s5, $0x1  }
0x7: {  	s1 =	rddreg [dreg:$0x2];
	s7 =	sor.u32 s4, s5  }
0x8: {  	[dreg:$0x7] =	wrdreg s3;
	s3 =	simm.s32 $0x0;
	s5 =	sshll.u32 s7, $0x6  }
0x9: {  	[smem:$0x7FF] =	sst s3;
	s6 =	sshll.u32 s7, $0xF;
	s0 =	sadd.s32 s0, s5  }
0xa: {  	_ =	strace $0x80000047;
	s11 =	sadd.s32 s2, s6;
	[dreg:$0x8] =	wrdreg s0  }
0xb: {  	s12 =	sadd.s32 $0x800, s11;
	[dreg:$0x18] =	wrdreg s11  }
0xc: {  	s13 =	sadd.s32 $0x1000, s11;
	[dreg:$0x9] =	wrdreg s12  }
0xd: {  	s14 =	sadd.s32 $0x1800, s11;
	[dreg:$0xa] =	wrdreg s13  }
0xe: {  	s15 =	sadd.s32 $0x2000, s11;
	[dreg:$0xb] =	wrdreg s14  }
0xf: {  	s29 =	simm.s32 $0x4280;
	s16 =	sadd.s32 $0x2800, s11;
	[dreg:$0xc] =	wrdreg s15  }
0x10: {  	s28 =	simm.s32 $0x9280;
	s17 =	sadd.s32 $0x3000, s11;
	[dreg:$0xd] =	wrdreg s16  }
0x11: {  	s31 =	simm.s32 $0x9A80;
	s18 =	sadd.s32 $0x3800, s11;
	[dreg:$0xe] =	wrdreg s17  }
0x12: {  	s24 =	ssub.s32 $0x2, s4;
	s19 =	sadd.s32 $0x4000, s11;
	[dreg:$0xf] =	wrdreg s18  }
0x13: {  	s4 =	sshrl.u32 s24, $0x1;
	s20 =	sadd.s32 $0x4800, s11;
	[dreg:$0x10] =	wrdreg s19  }
0x14: {  	p0 =	sne.s32 s7, $0x0;
	s21 =	sadd.s32 $0x5000, s11;
	[dreg:$0x11] =	wrdreg s20  }
0x15: {  	s7 =	simm.s32 $0x18280;
	s22 =	sadd.s32 $0x5800, s11;
	[dreg:$0x12] =	wrdreg s21  }
0x16: {  	s2 =	ssub.s32 s24, s4;
	s23 =	sadd.s32 $0x6000, s11;
	[dreg:$0x13] =	wrdreg s22  }
0x17: {  	s5 =	sadd.s32 $0x100, s1;
	s25 =	sadd.s32 $0x6800, s11;
	[dreg:$0x14] =	wrdreg s23  }
0x18: {  	s4 =	simm.s32 $0x9;
	s26 =	sadd.s32 $0x7000, s11;
	[dreg:$0x15] =	wrdreg s25  }
0x19: {  	v2 =	vlaneseq.u32;
	s30 =	sadd.s32 $0x7800, s11;
	s6 =	smax.u32 s2, $0x1;
	[dreg:$0x16] =	wrdreg s26  }
0x1a: {  	vm0 =	vmmov $0xffff;
	v1 =	vshrl.u32 v2, $0x3;
	s2 =	simm.s32 $0x2;
	[dreg:$0x17] =	wrdreg s30;
	s23 =	simm.s32 $0x1  }
0x1b: {  	v0 =	vand.u32 $0x7, v2;
	v2 =	vor.u32 $0x8, v2;
	v1 =	vmul.u32 $0x8, v1;
	s26 =	simm.s32 $0x8;
	s16 =	simm.s32 $0x280;
	s25 =	simm.s32 $0xBA80  }
.LBB2_1:
0x1c: {  	s18 =	rddreg [dreg:$0x8];
	s21 =	simm.s32 $0xF  }
0x1d: {  	[tilespmem:s3], [sflag:$0xF] =	stream.linear.gather [hbm4b:s18+s3], $0x200, $0x38;
	[tilespmem:$0x1C280] =	vst v63  }
0x1e: {  	_ =	swait.ge [sflag:s21], $0x200  }
0x1f: {  	[sflag:s21] =	ssyncset.done $0x0  }
0x20: {  	[sflag:s21] =	ssyncadd.s32 $0xFFFFFE00  }
0x21: {  	v3 =	vld [tilespmem:$0x0];
	_ =	sdelay $0x4  }
0x22: {  	v4 =	vshll.u32 v3, $0x2  }
0x23: {  	v3 =	vand.u32 $0x7, v3;
	v4 =	vand.u32 $0xFFFFFFE0, v4  }
0x24: {  	v3 =	vor.u32 v3, v4  }
0x25: {  	v4 =	vperm.xlane v3, v0;
	_ =	sdelay $0x1  }
0x26: {  	v4 =	vadd.s32 v1, v4;
	_ =	sdelay $0x1  }
0x27: {  	v3 =	vperm.xlane v3, v2;
	_ =	sdelay $0x1  }
0x28: {  	v3 =	vadd.s32 v1, v3  }
0x29: {  	[tilespmem:s16], [sflag:$0x1] =	stream.indirect_vreg.gather [hbm4b:s1+s3], $0x80, v4, vm0, $0xb8;
	[tilespmem:$0x1C280] =	vst v63  }
0x2a: {  	s0 =	simm.s32 $0xA80  }
0x2b: {  	[tilespmem:s0], [sflag:$0x1] =	stream.indirect_vreg.gather [hbm4b:s5+s3], $0x80, v4, vm0, $0xb8;
	[tilespmem:$0x1C280] =	vst v63  }
0x2c: {  	s22 =	simm.s32 $0x1280  }
0x2d: {  	[tilespmem:s22], [sflag:$0x1] =	stream.indirect_vreg.gather [hbm4b:s1+s3], $0x80, v3, vm0, $0xb8;
	[tilespmem:$0x1C280] =	vst v63  }
0x2e: {  	s24 =	simm.s32 $0x1A80  }
0x2f: {  	[tilespmem:s24], [sflag:$0x1] =	stream.indirect_vreg.gather [hbm4b:s5+s3], $0x80, v3, vm0, $0xb8;
	[tilespmem:$0x1C280] =	vst v63  }
0x30: {  	v3 =	vld [tilespmem:$0x10];
	_ =	sdelay $0x4  }
0x31: {  	v33 =	vshll.u32 v3, $0x2  }
0x32: {  	v3 =	vand.u32 $0x7, v3;
	v4 =	vand.u32 $0xFFFFFFE0, v33  }
0x33: {  	v3 =	vor.u32 v3, v4  }
0x34: {  	v4 =	vperm.xlane v3, v0;
	_ =	sdelay $0x1  }
0x35: {  	v4 =	vadd.s32 v1, v4;
	_ =	sdelay $0x1  }
0x36: {  	v3 =	vperm.xlane v3, v2;
	_ =	sdelay $0x1  }
0x37: {  	s30 =	simm.s32 $0x2280;
	v3 =	vadd.s32 v1, v3  }
0x38: {  	[tilespmem:s30], [sflag:$0x1] =	stream.indirect_vreg.gather [hbm4b:s1+s3], $0x80, v4, vm0, $0xb8;
	[tilespmem:$0x1C280] =	vst v63  }
0x39: {  	s8 =	simm.s32 $0x2A80  }
0x3a: {  	[tilespmem:s8], [sflag:$0x1] =	stream.indirect_vreg.gather [hbm4b:s5+s3], $0x80, v4, vm0, $0xb8;
	[tilespmem:$0x1C280] =	vst v63  }
0x3b: {  	s9 =	simm.s32 $0x3280  }
0x3c: {  	[tilespmem:s9], [sflag:$0x1] =	stream.indirect_vreg.gather [hbm4b:s1+s3], $0x80, v3, vm0, $0xb8;
	[tilespmem:$0x1C280] =	vst v63  }
0x3d: {  	s11 =	simm.s32 $0x3A80  }
0x3e: {  	[tilespmem:s11], [sflag:$0x1] =	stream.indirect_vreg.gather [hbm4b:s5+s3], $0x80, v3, vm0, $0xb8;
	[tilespmem:$0x1C280] =	vst v63  }
0x3f: {  	v3 =	vld [tilespmem:$0x20];
	_ =	sdelay $0x4  }
0x40: {  	v34 =	vshll.u32 v3, $0x2  }
0x41: {  	v3 =	vand.u32 $0x7, v3;
	v4 =	vand.u32 $0xFFFFFFE0, v34  }
0x42: {  	v3 =	vor.u32 v3, v4  }
0x43: {  	v4 =	vperm.xlane v3, v0;
	_ =	sdelay $0x1  }
0x44: {  	v4 =	vadd.s32 v1, v4;
	_ =	sdelay $0x1  }
0x45: {  	v3 =	vperm.xlane v3, v2;
	_ =	sdelay $0x1  }
0x46: {  	v3 =	vadd.s32 v1, v3  }
0x47: {  	[tilespmem:s29], [sflag:$0x2] =	stream.indirect_vreg.gather [hbm4b:s1+s3], $0x80, v4, vm0, $0xb8;
	[tilespmem:$0x1C280] =	vst v63  }
0x48: {  	s12 =	simm.s32 $0x4A80  }
0x49: {  	[tilespmem:s12], [sflag:$0x2] =	stream.indirect_vreg.gather [hbm4b:s5+s3], $0x80, v4, vm0, $0xb8;
	[tilespmem:$0x1C280] =	vst v63  }
0x4a: {  	s13 =	simm.s32 $0x5280  }
0x4b: {  	[tilespmem:s13], [sflag:$0x2] =	stream.indirect_vreg.gather [hbm4b:s1+s3], $0x80, v3, vm0, $0xb8;
	[tilespmem:$0x1C280] =	vst v63  }
0x4c: {  	s14 =	simm.s32 $0x5A80  }
0x4d: {  	[tilespmem:s14], [sflag:$0x2] =	stream.indirect_vreg.gather [hbm4b:s5+s3], $0x80, v3, vm0, $0xb8;
	[tilespmem:$0x1C280] =	vst v63  }
0x4e: {  	v3 =	vld [tilespmem:$0x30];
	_ =	sdelay $0x4  }
0x4f: {  	v35 =	vshll.u32 v3, $0x2  }
0x50: {  	v3 =	vand.u32 $0x7, v3;
	v4 =	vand.u32 $0xFFFFFFE0, v35  }
0x51: {  	v3 =	vor.u32 v3, v4  }
0x52: {  	v4 =	vperm.xlane v3, v0;
	_ =	sdelay $0x1  }
0x53: {  	v4 =	vadd.s32 v1, v4;
	_ =	sdelay $0x1  }
0x54: {  	v3 =	vperm.xlane v3, v2;
	_ =	sdelay $0x1  }
0x55: {  	s15 =	simm.s32 $0x6280;
	v3 =	vadd.s32 v1, v3  }
0x56: {  	[tilespmem:s15], [sflag:$0x2] =	stream.indirect_vreg.gather [hbm4b:s1+s3], $0x80, v4, vm0, $0xb8;
	[tilespmem:$0x1C280] =	vst v63  }
0x57: {  	s17 =	simm.s32 $0x6A80  }
0x58: {  	[tilespmem:s17], [sflag:$0x2] =	stream.indirect_vreg.gather [hbm4b:s5+s3], $0x80, v4, vm0, $0xb8;
	[tilespmem:$0x1C280] =	vst v63  }
0x59: {  	s18 =	simm.s32 $0x7280  }
0x5a: {  	[tilespmem:s18], [sflag:$0x2] =	stream.indirect_vreg.gather [hbm4b:s1+s3], $0x80, v3, vm0, $0xb8;
	[tilespmem:$0x1C280] =	vst v63  }
0x5b: {  	s19 =	simm.s32 $0x7A80  }
0x5c: {  	[tilespmem:s19], [sflag:$0x2] =	stream.indirect_vreg.gather [hbm4b:s5+s3], $0x80, v3, vm0, $0xb8;
	[tilespmem:$0x1C280] =	vst v63  }
0x5d: {  	v3 =	vld [tilespmem:$0x40];
	_ =	sdelay $0x4  }
0x5e: {  	v36 =	vshll.u32 v3, $0x2  }
0x5f: {  	v3 =	vand.u32 $0x7, v3;
	v4 =	vand.u32 $0xFFFFFFE0, v36  }
0x60: {  	v3 =	vor.u32 v3, v4  }
0x61: {  	v4 =	vperm.xlane v3, v0;
	_ =	sdelay $0x1  }
0x62: {  	v4 =	vadd.s32 v1, v4;
	_ =	sdelay $0x1  }
0x63: {  	v3 =	vperm.xlane v3, v2;
	_ =	sdelay $0x1  }
0x64: {  	s20 =	simm.s32 $0x8280;
	v3 =	vadd.s32 v1, v3  }
0x65: {  	[tilespmem:s20], [sflag:$0x3] =	stream.indirect_vreg.gather [hbm4b:s1+s3], $0x80, v4, vm0, $0xb8;
	[tilespmem:$0x1C280] =	vst v63  }
0x66: {  	s8 =	simm.s32 $0x8A80  }
0x67: {  	[tilespmem:s8], [sflag:$0x3] =	stream.indirect_vreg.gather [hbm4b:s5+s3], $0x80, v4, vm0, $0xb8;
	[tilespmem:$0x1C280] =	vst v63  }
0x68: {  	_ = 	snop  }
0x69: {  	[tilespmem:s28], [sflag:$0x3] =	stream.indirect_vreg.gather [hbm4b:s1+s3], $0x80, v3, vm0, $0xb8;
	[tilespmem:$0x1C280] =	vst v63  }
0x6a: {  	_ = 	snop  }
0x6b: {  	[tilespmem:s31], [sflag:$0x3] =	stream.indirect_vreg.gather [hbm4b:s5+s3], $0x80, v3, vm0, $0xb8;
	[tilespmem:$0x1C280] =	vst v63  }
0x6c: {  	v3 =	vld [tilespmem:$0x50];
	_ =	sdelay $0x4  }
0x6d: {  	v37 =	vshll.u32 v3, $0x2  }
0x6e: {  	v3 =	vand.u32 $0x7, v3;
	v4 =	vand.u32 $0xFFFFFFE0, v37  }
0x6f: {  	v3 =	vor.u32 v3, v4  }
0x70: {  	v4 =	vperm.xlane v3, v0;
	_ =	sdelay $0x1  }
0x71: {  	v4 =	vadd.s32 v1, v4;
	_ =	sdelay $0x1  }
0x72: {  	v3 =	vperm.xlane v3, v2;
	_ =	sdelay $0x1  }
0x73: {  	s22 =	simm.s32 $0xA280;
	v3 =	vadd.s32 v1, v3  }
0x74: {  	[tilespmem:s22], [sflag:$0x3] =	stream.indirect_vreg.gather [hbm4b:s1+s3], $0x80, v4, vm0, $0xb8;
	[tilespmem:$0x1C280] =	vst v63  }
0x75: {  	s12 =	simm.s32 $0xAA80  }
0x76: {  	[tilespmem:s12], [sflag:$0x3] =	stream.indirect_vreg.gather [hbm4b:s5+s3], $0x80, v4, vm0, $0xb8;
	[tilespmem:$0x1C280] =	vst v63  }
0x77: {  	s24 =	simm.s32 $0xB280  }
0x78: {  	[tilespmem:s24], [sflag:$0x3] =	stream.indirect_vreg.gather [hbm4b:s1+s3], $0x80, v3, vm0, $0xb8;
	[tilespmem:$0x1C280] =	vst v63  }
0x79: {  	_ = 	snop  }
0x7a: {  	[tilespmem:s25], [sflag:$0x3] =	stream.indirect_vreg.gather [hbm4b:s5+s3], $0x80, v3, vm0, $0xb8;
	[tilespmem:$0x1C280] =	vst v63  }
0x7b: {  	v3 =	vld [tilespmem:$0x60];
	_ =	sdelay $0x4  }
0x7c: {  	v38 =	vshll.u32 v3, $0x2  }
0x7d: {  	v3 =	vand.u32 $0x7, v3;
	v4 =	vand.u32 $0xFFFFFFE0, v38  }
0x7e: {  	v3 =	vor.u32 v3, v4  }
0x7f: {  	v4 =	vperm.xlane v3, v0;
	_ =	sdelay $0x1  }
0x80: {  	v4 =	vadd.s32 v1, v4;
	_ =	sdelay $0x1  }
0x81: {  	v3 =	vperm.xlane v3, v2;
	_ =	sdelay $0x1  }
0x82: {  	s21 =	simm.s32 $0xC280;
	v3 =	vadd.s32 v1, v3  }
0x83: {  	[tilespmem:s21], [sflag:$0x4] =	stream.indirect_vreg.gather [hbm4b:s1+s3], $0x80, v4, vm0, $0xb8;
	[tilespmem:$0x1C280] =	vst v63  }
0x84: {  	s17 =	simm.s32 $0xCA80  }
0x85: {  	[tilespmem:s17], [sflag:$0x4] =	stream.indirect_vreg.gather [hbm4b:s5+s3], $0x80, v4, vm0, $0xb8;
	[tilespmem:$0x1C280] =	vst v63  }
0x86: {  	s21 =	simm.s32 $0xD280  }
0x87: {  	[tilespmem:s21], [sflag:$0x4] =	stream.indirect_vreg.gather [hbm4b:s1+s3], $0x80, v3, vm0, $0xb8;
	[tilespmem:$0x1C280] =	vst v63  }
0x88: {  	s20 =	simm.s32 $0xDA80  }
0x89: {  	[tilespmem:s20], [sflag:$0x4] =	stream.indirect_vreg.gather [hbm4b:s5+s3], $0x80, v3, vm0, $0xb8;
	[tilespmem:$0x1C280] =	vst v63  }
0x8a: {  	v3 =	vld [tilespmem:$0x70];
	_ =	sdelay $0x4  }
0x8b: {  	v39 =	vshll.u32 v3, $0x2  }
0x8c: {  	v3 =	vand.u32 $0x7, v3;
	v4 =	vand.u32 $0xFFFFFFE0, v39  }
0x8d: {  	v3 =	vor.u32 v3, v4  }
0x8e: {  	v4 =	vperm.xlane v3, v0;
	_ =	sdelay $0x1  }
0x8f: {  	v4 =	vadd.s32 v1, v4;
	_ =	sdelay $0x1  }
0x90: {  	v3 =	vperm.xlane v3, v2;
	_ =	sdelay $0x1  }
0x91: {  	s9 =	simm.s32 $0xE280;
	v3 =	vadd.s32 v1, v3  }
0x92: {  	[tilespmem:s9], [sflag:$0x4] =	stream.indirect_vreg.gather [hbm4b:s1+s3], $0x80, v4, vm0, $0xb8;
	[tilespmem:$0x1C280] =	vst v63  }
0x93: {  	s13 =	simm.s32 $0xEA80  }
0x94: {  	[tilespmem:s13], [sflag:$0x4] =	stream.indirect_vreg.gather [hbm4b:s5+s3], $0x80, v4, vm0, $0xb8;
	[tilespmem:$0x1C280] =	vst v63  }
0x95: {  	s14 =	simm.s32 $0xF280  }
0x96: {  	[tilespmem:s14], [sflag:$0x4] =	stream.indirect_vreg.gather [hbm4b:s1+s3], $0x80, v3, vm0, $0xb8;
	[tilespmem:$0x1C280] =	vst v63  }
0x97: {  	s15 =	simm.s32 $0xFA80  }
0x98: {  	[tilespmem:s15], [sflag:$0x4] =	stream.indirect_vreg.gather [hbm4b:s5+s3], $0x80, v3, vm0, $0xb8;
	[tilespmem:$0x1C280] =	vst v63  }
0x99: {  	v3 =	vld [tilespmem:$0x80];
	_ =	sdelay $0x4  }
0x9a: {  	v40 =	vshll.u32 v3, $0x2  }
0x9b: {  	v3 =	vand.u32 $0x7, v3;
	v4 =	vand.u32 $0xFFFFFFE0, v40  }
0x9c: {  	v3 =	vor.u32 v3, v4  }
0x9d: {  	v4 =	vperm.xlane v3, v0;
	_ =	sdelay $0x1  }
0x9e: {  	v4 =	vadd.s32 v1, v4;
	_ =	sdelay $0x1  }
0x9f: {  	v3 =	vperm.xlane v3, v2;
	_ =	sdelay $0x1  }
0xa0: {  	s11 =	simm.s32 $0x10280;
	v3 =	vadd.s32 v1, v3  }
0xa1: {  	[tilespmem:s11], [sflag:$0x5] =	stream.indirect_vreg.gather [hbm4b:s1+s3], $0x80, v4, vm0, $0xb8;
	[tilespmem:$0x1C280] =	vst v63  }
0xa2: {  	s18 =	simm.s32 $0x10A80  }
0xa3: {  	[tilespmem:s18], [sflag:$0x5] =	stream.indirect_vreg.gather [hbm4b:s5+s3], $0x80, v4, vm0, $0xb8;
	[tilespmem:$0x1C280] =	vst v63  }
0xa4: {  	s19 =	simm.s32 $0x11280  }
0xa5: {  	[tilespmem:s19], [sflag:$0x5] =	stream.indirect_vreg.gather [hbm4b:s1+s3], $0x80, v3, vm0, $0xb8;
	[tilespmem:$0x1C280] =	vst v63  }
0xa6: {  	s9 =	simm.s32 $0x11A80  }
0xa7: {  	[tilespmem:s9], [sflag:$0x5] =	stream.indirect_vreg.gather [hbm4b:s5+s3], $0x80, v3, vm0, $0xb8;
	[tilespmem:$0x1C280] =	vst v63  }
0xa8: {  	v3 =	vld [tilespmem:$0x90];
	_ =	sdelay $0x4  }
0xa9: {  	v41 =	vshll.u32 v3, $0x2  }
0xaa: {  	v3 =	vand.u32 $0x7, v3;
	v4 =	vand.u32 $0xFFFFFFE0, v41  }
0xab: {  	v3 =	vor.u32 v3, v4  }
0xac: {  	v4 =	vperm.xlane v3, v0;
	_ =	sdelay $0x1  }
0xad: {  	v4 =	vadd.s32 v1, v4;
	_ =	sdelay $0x1  }
0xae: {  	v3 =	vperm.xlane v3, v2;
	_ =	sdelay $0x1  }
0xaf: {  	s11 =	simm.s32 $0x12280;
	v3 =	vadd.s32 v1, v3  }
0xb0: {  	[tilespmem:s11], [sflag:$0x5] =	stream.indirect_vreg.gather [hbm4b:s1+s3], $0x80, v4, vm0, $0xb8;
	[tilespmem:$0x1C280] =	vst v63  }
0xb1: {  	s18 =	simm.s32 $0x12A80  }
0xb2: {  	[tilespmem:s18], [sflag:$0x5] =	stream.indirect_vreg.gather [hbm4b:s5+s3], $0x80, v4, vm0, $0xb8;
	[tilespmem:$0x1C280] =	vst v63  }
0xb3: {  	s19 =	simm.s32 $0x13280  }
0xb4: {  	[tilespmem:s19], [sflag:$0x5] =	stream.indirect_vreg.gather [hbm4b:s1+s3], $0x80, v3, vm0, $0xb8;
	[tilespmem:$0x1C280] =	vst v63  }
0xb5: {  	s9 =	simm.s32 $0x13A80  }
0xb6: {  	[tilespmem:s9], [sflag:$0x5] =	stream.indirect_vreg.gather [hbm4b:s5+s3], $0x80, v3, vm0, $0xb8;
	[tilespmem:$0x1C280] =	vst v63  }
0xb7: {  	v3 =	vld [tilespmem:$0xA0];
	_ =	sdelay $0x4  }
0xb8: {  	v42 =	vshll.u32 v3, $0x2  }
0xb9: {  	v3 =	vand.u32 $0x7, v3;
	v4 =	vand.u32 $0xFFFFFFE0, v42  }
0xba: {  	v3 =	vor.u32 v3, v4  }
0xbb: {  	v4 =	vperm.xlane v3, v0;
	_ =	sdelay $0x1  }
0xbc: {  	v4 =	vadd.s32 v1, v4;
	_ =	sdelay $0x1  }
0xbd: {  	v3 =	vperm.xlane v3, v2;
	_ =	sdelay $0x1  }
0xbe: {  	s19 =	simm.s32 $0x14280;
	v3 =	vadd.s32 v1, v3  }
0xbf: {  	[tilespmem:s19], [sflag:$0x6] =	stream.indirect_vreg.gather [hbm4b:s1+s3], $0x80, v4, vm0, $0xb8;
	[tilespmem:$0x1C280] =	vst v63  }
0xc0: {  	s11 =	simm.s32 $0x14A80  }
0xc1: {  	[tilespmem:s11], [sflag:$0x6] =	stream.indirect_vreg.gather [hbm4b:s5+s3], $0x80, v4, vm0, $0xb8;
	[tilespmem:$0x1C280] =	vst v63  }
0xc2: {  	s18 =	simm.s32 $0x15280  }
0xc3: {  	[tilespmem:s18], [sflag:$0x6] =	stream.indirect_vreg.gather [hbm4b:s1+s3], $0x80, v3, vm0, $0xb8;
	[tilespmem:$0x1C280] =	vst v63  }
0xc4: {  	s9 =	simm.s32 $0x15A80  }
0xc5: {  	[tilespmem:s9], [sflag:$0x6] =	stream.indirect_vreg.gather [hbm4b:s5+s3], $0x80, v3, vm0, $0xb8;
	[tilespmem:$0x1C280] =	vst v63  }
0xc6: {  	v3 =	vld [tilespmem:$0xB0];
	_ =	sdelay $0x4  }
0xc7: {  	v43 =	vshll.u32 v3, $0x2  }
0xc8: {  	v3 =	vand.u32 $0x7, v3;
	v4 =	vand.u32 $0xFFFFFFE0, v43  }
0xc9: {  	v3 =	vor.u32 v3, v4  }
0xca: {  	v4 =	vperm.xlane v3, v0;
	_ =	sdelay $0x1  }
0xcb: {  	v4 =	vadd.s32 v1, v4;
	_ =	sdelay $0x1  }
0xcc: {  	v3 =	vperm.xlane v3, v2;
	_ =	sdelay $0x1  }
0xcd: {  	s11 =	simm.s32 $0x16280;
	v3 =	vadd.s32 v1, v3  }
0xce: {  	[tilespmem:s11], [sflag:$0x6] =	stream.indirect_vreg.gather [hbm4b:s1+s3], $0x80, v4, vm0, $0xb8;
	[tilespmem:$0x1C280] =	vst v63  }
0xcf: {  	s18 =	simm.s32 $0x16A80  }
0xd0: {  	[tilespmem:s18], [sflag:$0x6] =	stream.indirect_vreg.gather [hbm4b:s5+s3], $0x80, v4, vm0, $0xb8;
	[tilespmem:$0x1C280] =	vst v63  }
0xd1: {  	s9 =	simm.s32 $0x17280  }
0xd2: {  	[tilespmem:s9], [sflag:$0x6] =	stream.indirect_vreg.gather [hbm4b:s1+s3], $0x80, v3, vm0, $0xb8;
	[tilespmem:$0x1C280] =	vst v63  }
0xd3: {  	s11 =	simm.s32 $0x17A80  }
0xd4: {  	[tilespmem:s11], [sflag:$0x6] =	stream.indirect_vreg.gather [hbm4b:s5+s3], $0x80, v3, vm0, $0xb8;
	[tilespmem:$0x1C280] =	vst v63  }
0xd5: {  	v3 =	vld [tilespmem:$0xC0];
	_ =	sdelay $0x4  }
0xd6: {  	v44 =	vshll.u32 v3, $0x2  }
0xd7: {  	v3 =	vand.u32 $0x7, v3;
	v4 =	vand.u32 $0xFFFFFFE0, v44  }
0xd8: {  	v3 =	vor.u32 v3, v4  }
0xd9: {  	v4 =	vperm.xlane v3, v0;
	_ =	sdelay $0x1  }
0xda: {  	v4 =	vadd.s32 v1, v4;
	_ =	sdelay $0x1  }
0xdb: {  	v3 =	vperm.xlane v3, v2;
	_ =	sdelay $0x1  }
0xdc: {  	v3 =	vadd.s32 v1, v3  }
0xdd: {  	[tilespmem:s7], [sflag:$0x7] =	stream.indirect_vreg.gather [hbm4b:s1+s3], $0x80, v4, vm0, $0xb8;
	[tilespmem:$0x1C280] =	vst v63  }
0xde: {  	s18 =	simm.s32 $0x18A80  }
0xdf: {  	[tilespmem:s18], [sflag:$0x7] =	stream.indirect_vreg.gather [hbm4b:s5+s3], $0x80, v4, vm0, $0xb8;
	[tilespmem:$0x1C280] =	vst v63  }
0xe0: {  	s9 =	simm.s32 $0x19280  }
0xe1: {  	[tilespmem:s9], [sflag:$0x7] =	stream.indirect_vreg.gather [hbm4b:s1+s3], $0x80, v3, vm0, $0xb8;
	[tilespmem:$0x1C280] =	vst v63  }
0xe2: {  	s11 =	simm.s32 $0x19A80  }
0xe3: {  	[tilespmem:s11], [sflag:$0x7] =	stream.indirect_vreg.gather [hbm4b:s5+s3], $0x80, v3, vm0, $0xb8;
	[tilespmem:$0x1C280] =	vst v63  }
0xe4: {  	v3 =	vld [tilespmem:$0xD0];
	_ =	sdelay $0x4  }
0xe5: {  	v45 =	vshll.u32 v3, $0x2  }
0xe6: {  	v3 =	vand.u32 $0x7, v3;
	v4 =	vand.u32 $0xFFFFFFE0, v45  }
0xe7: {  	v3 =	vor.u32 v3, v4  }
0xe8: {  	v4 =	vperm.xlane v3, v0;
	_ =	sdelay $0x1  }
0xe9: {  	v4 =	vadd.s32 v1, v4;
	_ =	sdelay $0x1  }
0xea: {  	v3 =	vperm.xlane v3, v2;
	_ =	sdelay $0x1  }
0xeb: {  	s18 =	simm.s32 $0x1A280;
	v3 =	vadd.s32 v1, v3  }
0xec: {  	[tilespmem:s18], [sflag:$0x7] =	stream.indirect_vreg.gather [hbm4b:s1+s3], $0x80, v4, vm0, $0xb8;
	[tilespmem:$0x1C280] =	vst v63  }
0xed: {  	s9 =	simm.s32 $0x1AA80  }
0xee: {  	[tilespmem:s9], [sflag:$0x7] =	stream.indirect_vreg.gather [hbm4b:s5+s3], $0x80, v4, vm0, $0xb8;
	[tilespmem:$0x1C280] =	vst v63  }
0xef: {  	s11 =	simm.s32 $0x1B280  }
0xf0: {  	[tilespmem:s11], [sflag:$0x7] =	stream.indirect_vreg.gather [hbm4b:s1+s3], $0x80, v3, vm0, $0xb8;
	[tilespmem:$0x1C280] =	vst v63  }
0xf1: {  	s18 =	simm.s32 $0x1BA80  }
0xf2: {  	[tilespmem:s18], [sflag:$0x7] =	stream.indirect_vreg.gather [hbm4b:s5+s3], $0x80, v3, vm0, $0xb8;
	[tilespmem:$0x1C280] =	vst v63  }
0xf3: {  	_ =	swait.ge [sflag:s23], $0x4000  }
0xf4: {  	[sflag:s23] =	ssyncset.done $0x0  }
0xf5: {  	s9 =	rddreg [dreg:$0x18];
	[sflag:s23] =	ssyncadd.s32 $0xFFFFC000  }
0xf6: {  	[hbm4b:s9+s3] =	stream.linear.scatter [tilespmem:s16], [sflag:$0x8], $0x4000, $0x38;
	[tilespmem:$0x1C280] =	vst v63  }
0xf7: {  	_ =	swait.ge [sflag:s2], $0x4000  }
0xf8: {  	[sflag:s2] =	ssyncset.done $0x0  }
0xf9: {  	s11 =	rddreg [dreg:$0x9];
	[sflag:s2] =	ssyncadd.s32 $0xFFFFC000  }
0xfa: {  	[hbm4b:s11+s3] =	stream.linear.scatter [tilespmem:s29], [sflag:$0x9], $0x4000, $0x38;
	[tilespmem:$0x1C280] =	vst v63  }
0xfb: {  	_ =	swait.ge [sflag:s26], $0x4000  }
0xfc: {  	[sflag:s26] =	ssyncset.done $0x0  }
0xfd: {  	[sflag:s26] =	ssyncadd.s32 $0xFFFFC000  }
0xfe: {  	v3 =	vld [tilespmem:$0xE0];
	_ =	sdelay $0x4  }
0xff: {  	v46 =	vshll.u32 v3, $0x2  }
0x100: {  	v3 =	vand.u32 $0x7, v3;
	v4 =	vand.u32 $0xFFFFFFE0, v46  }
0x101: {  	v3 =	vor.u32 v3, v4  }
0x102: {  	v4 =	vperm.xlane v3, v0;
	_ =	sdelay $0x1  }
0x103: {  	v4 =	vadd.s32 v1, v4;
	_ =	sdelay $0x1  }
0x104: {  	v3 =	vperm.xlane v3, v2;
	_ =	sdelay $0x1  }
0x105: {  	v3 =	vadd.s32 v1, v3  }
0x106: {  	[tilespmem:s16], [sflag:$0x1] =	stream.indirect_vreg.gather [hbm4b:s1+s3], $0x80, v4, vm0, $0xb8;
	[tilespmem:$0x1C280] =	vst v63  }
0x107: {  	s18 =	simm.s32 $0xA80  }
0x108: {  	[tilespmem:s18], [sflag:$0x1] =	stream.indirect_vreg.gather [hbm4b:s5+s3], $0x80, v4, vm0, $0xb8;
	[tilespmem:$0x1C280] =	vst v63  }
0x109: {  	s9 =	simm.s32 $0x1280  }
0x10a: {  	[tilespmem:s9], [sflag:$0x1] =	stream.indirect_vreg.gather [hbm4b:s1+s3], $0x80, v3, vm0, $0xb8;
	[tilespmem:$0x1C280] =	vst v63  }
0x10b: {  	s10 =	simm.s32 $0x1A80  }
0x10c: {  	[tilespmem:s10], [sflag:$0x1] =	stream.indirect_vreg.gather [hbm4b:s5+s3], $0x80, v3, vm0, $0xb8;
	[tilespmem:$0x1C280] =	vst v63  }
0x10d: {  	v3 =	vld [tilespmem:$0xF0];
	_ =	sdelay $0x4  }
0x10e: {  	v47 =	vshll.u32 v3, $0x2  }
0x10f: {  	v3 =	vand.u32 $0x7, v3;
	v4 =	vand.u32 $0xFFFFFFE0, v47  }
0x110: {  	v3 =	vor.u32 v3, v4  }
0x111: {  	v4 =	vperm.xlane v3, v0;
	_ =	sdelay $0x1  }
0x112: {  	v4 =	vadd.s32 v1, v4;
	_ =	sdelay $0x1  }
0x113: {  	v3 =	vperm.xlane v3, v2;
	_ =	sdelay $0x1  }
0x114: {  	s10 =	simm.s32 $0x2280;
	v3 =	vadd.s32 v1, v3  }
0x115: {  	[tilespmem:s10], [sflag:$0x1] =	stream.indirect_vreg.gather [hbm4b:s1+s3], $0x80, v4, vm0, $0xb8;
	[tilespmem:$0x1C280] =	vst v63  }
0x116: {  	s11 =	simm.s32 $0x2A80  }
0x117: {  	[tilespmem:s11], [sflag:$0x1] =	stream.indirect_vreg.gather [hbm4b:s5+s3], $0x80, v4, vm0, $0xb8;
	[tilespmem:$0x1C280] =	vst v63  }
0x118: {  	s18 =	simm.s32 $0x3280  }
0x119: {  	[tilespmem:s18], [sflag:$0x1] =	stream.indirect_vreg.gather [hbm4b:s1+s3], $0x80, v3, vm0, $0xb8;
	[tilespmem:$0x1C280] =	vst v63  }
0x11a: {  	s0 =	simm.s32 $0x3;
	s30 =	simm.s32 $0x3A80  }
0x11b: {  	[tilespmem:s30], [sflag:$0x1] =	stream.indirect_vreg.gather [hbm4b:s5+s3], $0x80, v3, vm0, $0xb8;
	[tilespmem:$0x1C280] =	vst v63  }
0x11c: {  	_ =	swait.ge [sflag:s0], $0x4000  }
0x11d: {  	[sflag:s0] =	ssyncset.done $0x0  }
0x11e: {  	s9 =	simm.s32 $0x8280;
	s30 =	rddreg [dreg:$0xa];
	[sflag:s0] =	ssyncadd.s32 $0xFFFFC000  }
0x11f: {  	[hbm4b:s30+s3] =	stream.linear.scatter [tilespmem:s9], [sflag:$0xA], $0x4000, $0x38;
	[tilespmem:$0x1C280] =	vst v63  }
0x120: {  	_ =	swait.ge [sflag:s4], $0x4000  }
0x121: {  	[sflag:s4] =	ssyncset.done $0x0  }
0x122: {  	[sflag:s4] =	ssyncadd.s32 $0xFFFFC000  }
0x123: {  	v3 =	vld [tilespmem:$0x100];
	_ =	sdelay $0x4  }
0x124: {  	v48 =	vshll.u32 v3, $0x2  }
0x125: {  	v3 =	vand.u32 $0x7, v3;
	v4 =	vand.u32 $0xFFFFFFE0, v48  }
0x126: {  	v3 =	vor.u32 v3, v4  }
0x127: {  	v4 =	vperm.xlane v3, v0;
	_ =	sdelay $0x1  }
0x128: {  	v4 =	vadd.s32 v1, v4;
	_ =	sdelay $0x1  }
0x129: {  	v3 =	vperm.xlane v3, v2;
	_ =	sdelay $0x1  }
0x12a: {  	v3 =	vadd.s32 v1, v3  }
0x12b: {  	[tilespmem:s29], [sflag:$0x2] =	stream.indirect_vreg.gather [hbm4b:s1+s3], $0x80, v4, vm0, $0xb8;
	[tilespmem:$0x1C280] =	vst v63  }
0x12c: {  	s10 =	simm.s32 $0x4A80  }
0x12d: {  	[tilespmem:s10], [sflag:$0x2] =	stream.indirect_vreg.gather [hbm4b:s5+s3], $0x80, v4, vm0, $0xb8;
	[tilespmem:$0x1C280] =	vst v63  }
0x12e: {  	s11 =	simm.s32 $0x5280  }
0x12f: {  	[tilespmem:s11], [sflag:$0x2] =	stream.indirect_vreg.gather [hbm4b:s1+s3], $0x80, v3, vm0, $0xb8;
	[tilespmem:$0x1C280] =	vst v63  }
0x130: {  	s18 =	simm.s32 $0x5A80  }
0x131: {  	[tilespmem:s18], [sflag:$0x2] =	stream.indirect_vreg.gather [hbm4b:s5+s3], $0x80, v3, vm0, $0xb8;
	[tilespmem:$0x1C280] =	vst v63  }
0x132: {  	v3 =	vld [tilespmem:$0x110];
	_ =	sdelay $0x4  }
0x133: {  	v49 =	vshll.u32 v3, $0x2  }
0x134: {  	v3 =	vand.u32 $0x7, v3;
	v4 =	vand.u32 $0xFFFFFFE0, v49  }
0x135: {  	v3 =	vor.u32 v3, v4  }
0x136: {  	v4 =	vperm.xlane v3, v0;
	_ =	sdelay $0x1  }
0x137: {  	v4 =	vadd.s32 v1, v4;
	_ =	sdelay $0x1  }
0x138: {  	v3 =	vperm.xlane v3, v2;
	_ =	sdelay $0x1  }
0x139: {  	s30 =	simm.s32 $0x6280;
	v3 =	vadd.s32 v1, v3  }
0x13a: {  	[tilespmem:s30], [sflag:$0x2] =	stream.indirect_vreg.gather [hbm4b:s1+s3], $0x80, v4, vm0, $0xb8;
	[tilespmem:$0x1C280] =	vst v63  }
0x13b: {  	s11 =	simm.s32 $0x6A80  }
0x13c: {  	[tilespmem:s11], [sflag:$0x2] =	stream.indirect_vreg.gather [hbm4b:s5+s3], $0x80, v4, vm0, $0xb8;
	[tilespmem:$0x1C280] =	vst v63  }
0x13d: {  	s18 =	simm.s32 $0x7280  }
0x13e: {  	[tilespmem:s18], [sflag:$0x2] =	stream.indirect_vreg.gather [hbm4b:s1+s3], $0x80, v3, vm0, $0xb8;
	[tilespmem:$0x1C280] =	vst v63  }
0x13f: {  	s30 =	simm.s32 $0x7A80  }
0x140: {  	[tilespmem:s30], [sflag:$0x2] =	stream.indirect_vreg.gather [hbm4b:s5+s3], $0x80, v3, vm0, $0xb8;
	[tilespmem:$0x1C280] =	vst v63  }
0x141: {  	s30 =	simm.s32 $0x4  }
0x142: {  	_ =	swait.ge [sflag:s30], $0x4000  }
0x143: {  	[sflag:s30] =	ssyncset.done $0x0  }
0x144: {  	s11 =	simm.s32 $0xC280;
	s10 =	rddreg [dreg:$0xb];
	[sflag:s30] =	ssyncadd.s32 $0xFFFFC000  }
0x145: {  	[hbm4b:s10+s3] =	stream.linear.scatter [tilespmem:s11], [sflag:$0xB], $0x4000, $0x38;
	[tilespmem:$0x1C280] =	vst v63  }
0x146: {  	s10 =	simm.s32 $0xA  }
0x147: {  	_ =	swait.ge [sflag:s10], $0x4000  }
0x148: {  	[sflag:s10] =	ssyncset.done $0x0  }
0x149: {  	[sflag:s10] =	ssyncadd.s32 $0xFFFFC000  }
0x14a: {  	v3 =	vld [tilespmem:$0x120];
	_ =	sdelay $0x4  }
0x14b: {  	v50 =	vshll.u32 v3, $0x2  }
0x14c: {  	v3 =	vand.u32 $0x7, v3;
	v4 =	vand.u32 $0xFFFFFFE0, v50  }
0x14d: {  	v3 =	vor.u32 v3, v4  }
0x14e: {  	v4 =	vperm.xlane v3, v0;
	_ =	sdelay $0x1  }
0x14f: {  	v4 =	vadd.s32 v1, v4;
	_ =	sdelay $0x1  }
0x150: {  	v3 =	vperm.xlane v3, v2;
	_ =	sdelay $0x1  }
0x151: {  	v3 =	vadd.s32 v1, v3  }
0x152: {  	[tilespmem:s9], [sflag:$0x3] =	stream.indirect_vreg.gather [hbm4b:s1+s3], $0x80, v4, vm0, $0xb8;
	[tilespmem:$0x1C280] =	vst v63  }
0x153: {  	_ = 	snop  }
0x154: {  	[tilespmem:s8], [sflag:$0x3] =	stream.indirect_vreg.gather [hbm4b:s5+s3], $0x80, v4, vm0, $0xb8;
	[tilespmem:$0x1C280] =	vst v63  }
0x155: {  	_ = 	snop  }
0x156: {  	[tilespmem:s28], [sflag:$0x3] =	stream.indirect_vreg.gather [hbm4b:s1+s3], $0x80, v3, vm0, $0xb8;
	[tilespmem:$0x1C280] =	vst v63  }
0x157: {  	_ = 	snop  }
0x158: {  	[tilespmem:s31], [sflag:$0x3] =	stream.indirect_vreg.gather [hbm4b:s5+s3], $0x80, v3, vm0, $0xb8;
	[tilespmem:$0x1C280] =	vst v63  }
0x159: {  	v3 =	vld [tilespmem:$0x130];
	_ =	sdelay $0x4  }
0x15a: {  	v51 =	vshll.u32 v3, $0x2  }
0x15b: {  	v3 =	vand.u32 $0x7, v3;
	v4 =	vand.u32 $0xFFFFFFE0, v51  }
0x15c: {  	v3 =	vor.u32 v3, v4  }
0x15d: {  	v4 =	vperm.xlane v3, v0;
	_ =	sdelay $0x1  }
0x15e: {  	v4 =	vadd.s32 v1, v4;
	_ =	sdelay $0x1  }
0x15f: {  	v3 =	vperm.xlane v3, v2;
	_ =	sdelay $0x1  }
0x160: {  	v3 =	vadd.s32 v1, v3  }
0x161: {  	[tilespmem:s22], [sflag:$0x3] =	stream.indirect_vreg.gather [hbm4b:s1+s3], $0x80, v4, vm0, $0xb8;
	[tilespmem:$0x1C280] =	vst v63  }
0x162: {  	_ = 	snop  }
0x163: {  	[tilespmem:s12], [sflag:$0x3] =	stream.indirect_vreg.gather [hbm4b:s5+s3], $0x80, v4, vm0, $0xb8;
	[tilespmem:$0x1C280] =	vst v63  }
0x164: {  	_ = 	snop  }
0x165: {  	[tilespmem:s24], [sflag:$0x3] =	stream.indirect_vreg.gather [hbm4b:s1+s3], $0x80, v3, vm0, $0xb8;
	[tilespmem:$0x1C280] =	vst v63  }
0x166: {  	s8 =	simm.s32 $0x5  }
0x167: {  	[tilespmem:s25], [sflag:$0x3] =	stream.indirect_vreg.gather [hbm4b:s5+s3], $0x80, v3, vm0, $0xb8;
	[tilespmem:$0x1C280] =	vst v63  }
0x168: {  	_ =	swait.ge [sflag:s8], $0x4000  }
0x169: {  	s22 =	simm.s32 $0xB;
	[sflag:s8] =	ssyncset.done $0x0  }
0x16a: {  	s24 =	simm.s32 $0x10280;
	s9 =	rddreg [dreg:$0xc];
	[sflag:s8] =	ssyncadd.s32 $0xFFFFC000  }
0x16b: {  	[hbm4b:s9+s3] =	stream.linear.scatter [tilespmem:s24], [sflag:$0xC], $0x4000, $0x38;
	[tilespmem:$0x1C280] =	vst v63  }
0x16c: {  	_ =	swait.ge [sflag:s22], $0x4000  }
0x16d: {  	[sflag:s22] =	ssyncset.done $0x0  }
0x16e: {  	[sflag:s22] =	ssyncadd.s32 $0xFFFFC000  }
0x16f: {  	v3 =	vld [tilespmem:$0x140];
	_ =	sdelay $0x4  }
0x170: {  	v52 =	vshll.u32 v3, $0x2  }
0x171: {  	v3 =	vand.u32 $0x7, v3;
	v4 =	vand.u32 $0xFFFFFFE0, v52  }
0x172: {  	v3 =	vor.u32 v3, v4  }
0x173: {  	v4 =	vperm.xlane v3, v0;
	_ =	sdelay $0x1  }
0x174: {  	v4 =	vadd.s32 v1, v4;
	_ =	sdelay $0x1  }
0x175: {  	v3 =	vperm.xlane v3, v2;
	_ =	sdelay $0x1  }
0x176: {  	v3 =	vadd.s32 v1, v3  }
0x177: {  	[tilespmem:s11], [sflag:$0x4] =	stream.indirect_vreg.gather [hbm4b:s1+s3], $0x80, v4, vm0, $0xb8;
	[tilespmem:$0x1C280] =	vst v63  }
0x178: {  	_ = 	snop  }
0x179: {  	[tilespmem:s17], [sflag:$0x4] =	stream.indirect_vreg.gather [hbm4b:s5+s3], $0x80, v4, vm0, $0xb8;
	[tilespmem:$0x1C280] =	vst v63  }
0x17a: {  	_ = 	snop  }
0x17b: {  	[tilespmem:s21], [sflag:$0x4] =	stream.indirect_vreg.gather [hbm4b:s1+s3], $0x80, v3, vm0, $0xb8;
	[tilespmem:$0x1C280] =	vst v63  }
0x17c: {  	_ = 	snop  }
0x17d: {  	[tilespmem:s20], [sflag:$0x4] =	stream.indirect_vreg.gather [hbm4b:s5+s3], $0x80, v3, vm0, $0xb8;
	[tilespmem:$0x1C280] =	vst v63  }
0x17e: {  	v3 =	vld [tilespmem:$0x150];
	_ =	sdelay $0x4  }
0x17f: {  	v53 =	vshll.u32 v3, $0x2  }
0x180: {  	v3 =	vand.u32 $0x7, v3;
	v4 =	vand.u32 $0xFFFFFFE0, v53  }
0x181: {  	v3 =	vor.u32 v3, v4  }
0x182: {  	v4 =	vperm.xlane v3, v0;
	_ =	sdelay $0x1  }
0x183: {  	v4 =	vadd.s32 v1, v4;
	_ =	sdelay $0x1  }
0x184: {  	v3 =	vperm.xlane v3, v2;
	_ =	sdelay $0x1  }
0x185: {  	s12 =	simm.s32 $0xE280;
	v3 =	vadd.s32 v1, v3  }
0x186: {  	[tilespmem:s12], [sflag:$0x4] =	stream.indirect_vreg.gather [hbm4b:s1+s3], $0x80, v4, vm0, $0xb8;
	[tilespmem:$0x1C280] =	vst v63  }
0x187: {  	_ = 	snop  }
0x188: {  	[tilespmem:s13], [sflag:$0x4] =	stream.indirect_vreg.gather [hbm4b:s5+s3], $0x80, v4, vm0, $0xb8;
	[tilespmem:$0x1C280] =	vst v63  }
0x189: {  	_ = 	snop  }
0x18a: {  	[tilespmem:s14], [sflag:$0x4] =	stream.indirect_vreg.gather [hbm4b:s1+s3], $0x80, v3, vm0, $0xb8;
	[tilespmem:$0x1C280] =	vst v63  }
0x18b: {  	s12 =	simm.s32 $0x6  }
0x18c: {  	[tilespmem:s15], [sflag:$0x4] =	stream.indirect_vreg.gather [hbm4b:s5+s3], $0x80, v3, vm0, $0xb8;
	[tilespmem:$0x1C280] =	vst v63  }
0x18d: {  	_ =	swait.ge [sflag:s12], $0x4000  }
0x18e: {  	[sflag:s12] =	ssyncset.done $0x0  }
0x18f: {  	s13 =	simm.s32 $0xC;
	s17 =	rddreg [dreg:$0xd];
	[sflag:s12] =	ssyncadd.s32 $0xFFFFC000  }
0x190: {  	[hbm4b:s17+s3] =	stream.linear.scatter [tilespmem:s19], [sflag:$0xD], $0x4000, $0x38;
	[tilespmem:$0x1C280] =	vst v63  }
0x191: {  	_ =	swait.ge [sflag:s13], $0x4000  }
0x192: {  	[sflag:s13] =	ssyncset.done $0x0  }
0x193: {  	[sflag:s13] =	ssyncadd.s32 $0xFFFFC000  }
0x194: {  	v3 =	vld [tilespmem:$0x160];
	_ =	sdelay $0x4  }
0x195: {  	v54 =	vshll.u32 v3, $0x2  }
0x196: {  	v3 =	vand.u32 $0x7, v3;
	v4 =	vand.u32 $0xFFFFFFE0, v54  }
0x197: {  	v3 =	vor.u32 v3, v4  }
0x198: {  	v4 =	vperm.xlane v3, v0;
	_ =	sdelay $0x1  }
0x199: {  	v4 =	vadd.s32 v1, v4;
	_ =	sdelay $0x1  }
0x19a: {  	v3 =	vperm.xlane v3, v2;
	_ =	sdelay $0x1  }
0x19b: {  	v3 =	vadd.s32 v1, v3  }
0x19c: {  	[tilespmem:s24], [sflag:$0x5] =	stream.indirect_vreg.gather [hbm4b:s1+s3], $0x80, v4, vm0, $0xb8;
	[tilespmem:$0x1C280] =	vst v63  }
0x19d: {  	s18 =	simm.s32 $0x10A80  }
0x19e: {  	[tilespmem:s18], [sflag:$0x5] =	stream.indirect_vreg.gather [hbm4b:s5+s3], $0x80, v4, vm0, $0xb8;
	[tilespmem:$0x1C280] =	vst v63  }
0x19f: {  	s20 =	simm.s32 $0x11280  }
0x1a0: {  	[tilespmem:s20], [sflag:$0x5] =	stream.indirect_vreg.gather [hbm4b:s1+s3], $0x80, v3, vm0, $0xb8;
	[tilespmem:$0x1C280] =	vst v63  }
0x1a1: {  	s21 =	simm.s32 $0x11A80  }
0x1a2: {  	[tilespmem:s21], [sflag:$0x5] =	stream.indirect_vreg.gather [hbm4b:s5+s3], $0x80, v3, vm0, $0xb8;
	[tilespmem:$0x1C280] =	vst v63  }
0x1a3: {  	v3 =	vld [tilespmem:$0x170];
	_ =	sdelay $0x4  }
0x1a4: {  	v55 =	vshll.u32 v3, $0x2  }
0x1a5: {  	v3 =	vand.u32 $0x7, v3;
	v4 =	vand.u32 $0xFFFFFFE0, v55  }
0x1a6: {  	v3 =	vor.u32 v3, v4  }
0x1a7: {  	v4 =	vperm.xlane v3, v0;
	_ =	sdelay $0x1  }
0x1a8: {  	v4 =	vadd.s32 v1, v4;
	_ =	sdelay $0x1  }
0x1a9: {  	v3 =	vperm.xlane v3, v2;
	_ =	sdelay $0x1  }
0x1aa: {  	s24 =	simm.s32 $0x12280;
	v3 =	vadd.s32 v1, v3  }
0x1ab: {  	[tilespmem:s24], [sflag:$0x5] =	stream.indirect_vreg.gather [hbm4b:s1+s3], $0x80, v4, vm0, $0xb8;
	[tilespmem:$0x1C280] =	vst v63  }
0x1ac: {  	s15 =	simm.s32 $0x12A80  }
0x1ad: {  	[tilespmem:s15], [sflag:$0x5] =	stream.indirect_vreg.gather [hbm4b:s5+s3], $0x80, v4, vm0, $0xb8;
	[tilespmem:$0x1C280] =	vst v63  }
0x1ae: {  	s17 =	simm.s32 $0x13280  }
0x1af: {  	[tilespmem:s17], [sflag:$0x5] =	stream.indirect_vreg.gather [hbm4b:s1+s3], $0x80, v3, vm0, $0xb8;
	[tilespmem:$0x1C280] =	vst v63  }
0x1b0: {  	s14 =	simm.s32 $0x7;
	s18 =	simm.s32 $0x13A80  }
0x1b1: {  	[tilespmem:s18], [sflag:$0x5] =	stream.indirect_vreg.gather [hbm4b:s5+s3], $0x80, v3, vm0, $0xb8;
	[tilespmem:$0x1C280] =	vst v63  }
0x1b2: {  	_ =	swait.ge [sflag:s14], $0x4000  }
0x1b3: {  	[sflag:s14] =	ssyncset.done $0x0  }
0x1b4: {  	s15 =	simm.s32 $0xD;
	s20 =	rddreg [dreg:$0xe];
	[sflag:s14] =	ssyncadd.s32 $0xFFFFC000  }
0x1b5: {  	[hbm4b:s20+s3] =	stream.linear.scatter [tilespmem:s7], [sflag:$0xE], $0x4000, $0x38;
	[tilespmem:$0x1C280] =	vst v63  }
0x1b6: {  	_ =	swait.ge [sflag:s15], $0x4000  }
0x1b7: {  	[sflag:s15] =	ssyncset.done $0x0  }
0x1b8: {  	[sflag:s15] =	ssyncadd.s32 $0xFFFFC000  }
0x1b9: {  	v3 =	vld [tilespmem:$0x180];
	_ =	sdelay $0x4  }
0x1ba: {  	v56 =	vshll.u32 v3, $0x2  }
0x1bb: {  	v3 =	vand.u32 $0x7, v3;
	v4 =	vand.u32 $0xFFFFFFE0, v56  }
0x1bc: {  	v3 =	vor.u32 v3, v4  }
0x1bd: {  	v4 =	vperm.xlane v3, v0;
	_ =	sdelay $0x1  }
0x1be: {  	v4 =	vadd.s32 v1, v4;
	_ =	sdelay $0x1  }
0x1bf: {  	v3 =	vperm.xlane v3, v2;
	_ =	sdelay $0x1  }
0x1c0: {  	v3 =	vadd.s32 v1, v3  }
0x1c1: {  	[tilespmem:s19], [sflag:$0x6] =	stream.indirect_vreg.gather [hbm4b:s1+s3], $0x80, v4, vm0, $0xb8;
	[tilespmem:$0x1C280] =	vst v63  }
0x1c2: {  	s21 =	simm.s32 $0x14A80  }
0x1c3: {  	[tilespmem:s21], [sflag:$0x6] =	stream.indirect_vreg.gather [hbm4b:s5+s3], $0x80, v4, vm0, $0xb8;
	[tilespmem:$0x1C280] =	vst v63  }
0x1c4: {  	s24 =	simm.s32 $0x15280  }
0x1c5: {  	[tilespmem:s24], [sflag:$0x6] =	stream.indirect_vreg.gather [hbm4b:s1+s3], $0x80, v3, vm0, $0xb8;
	[tilespmem:$0x1C280] =	vst v63  }
0x1c6: {  	s18 =	simm.s32 $0x15A80  }
0x1c7: {  	[tilespmem:s18], [sflag:$0x6] =	stream.indirect_vreg.gather [hbm4b:s5+s3], $0x80, v3, vm0, $0xb8;
	[tilespmem:$0x1C280] =	vst v63  }
0x1c8: {  	v3 =	vld [tilespmem:$0x190];
	_ =	sdelay $0x4  }
0x1c9: {  	v57 =	vshll.u32 v3, $0x2  }
0x1ca: {  	v3 =	vand.u32 $0x7, v3;
	v4 =	vand.u32 $0xFFFFFFE0, v57  }
0x1cb: {  	v3 =	vor.u32 v3, v4  }
0x1cc: {  	v4 =	vperm.xlane v3, v0;
	_ =	sdelay $0x1  }
0x1cd: {  	v4 =	vadd.s32 v1, v4;
	_ =	sdelay $0x1  }
0x1ce: {  	v3 =	vperm.xlane v3, v2;
	_ =	sdelay $0x1  }
0x1cf: {  	s20 =	simm.s32 $0x16280;
	v3 =	vadd.s32 v1, v3  }
0x1d0: {  	[tilespmem:s20], [sflag:$0x6] =	stream.indirect_vreg.gather [hbm4b:s1+s3], $0x80, v4, vm0, $0xb8;
	[tilespmem:$0x1C280] =	vst v63  }
0x1d1: {  	s21 =	simm.s32 $0x16A80  }
0x1d2: {  	[tilespmem:s21], [sflag:$0x6] =	stream.indirect_vreg.gather [hbm4b:s5+s3], $0x80, v4, vm0, $0xb8;
	[tilespmem:$0x1C280] =	vst v63  }
0x1d3: {  	s24 =	simm.s32 $0x17280  }
0x1d4: {  	[tilespmem:s24], [sflag:$0x6] =	stream.indirect_vreg.gather [hbm4b:s1+s3], $0x80, v3, vm0, $0xb8;
	[tilespmem:$0x1C280] =	vst v63  }
0x1d5: {  	s18 =	simm.s32 $0x17A80  }
0x1d6: {  	[tilespmem:s18], [sflag:$0x6] =	stream.indirect_vreg.gather [hbm4b:s5+s3], $0x80, v3, vm0, $0xb8;
	[tilespmem:$0x1C280] =	vst v63  }
0x1d7: {  	_ =	swait.ge [sflag:s23], $0x4000  }
0x1d8: {  	[sflag:s23] =	ssyncset.done $0x0  }
0x1d9: {  	s17 =	simm.s32 $0xE;
	s20 =	rddreg [dreg:$0xf];
	[sflag:s23] =	ssyncadd.s32 $0xFFFFC000  }
0x1da: {  	[hbm4b:s20+s3] =	stream.linear.scatter [tilespmem:s16], [sflag:$0x8], $0x4000, $0x38;
	[tilespmem:$0x1C280] =	vst v63  }
0x1db: {  	_ =	swait.ge [sflag:s17], $0x4000  }
0x1dc: {  	[sflag:s17] =	ssyncset.done $0x0  }
0x1dd: {  	[sflag:s17] =	ssyncadd.s32 $0xFFFFC000  }
0x1de: {  	v3 =	vld [tilespmem:$0x1A0];
	_ =	sdelay $0x4  }
0x1df: {  	v58 =	vshll.u32 v3, $0x2  }
0x1e0: {  	v3 =	vand.u32 $0x7, v3;
	v4 =	vand.u32 $0xFFFFFFE0, v58  }
0x1e1: {  	v3 =	vor.u32 v3, v4  }
0x1e2: {  	v4 =	vperm.xlane v3, v0;
	_ =	sdelay $0x1  }
0x1e3: {  	v4 =	vadd.s32 v1, v4;
	_ =	sdelay $0x1  }
0x1e4: {  	v3 =	vperm.xlane v3, v2;
	_ =	sdelay $0x1  }
0x1e5: {  	v3 =	vadd.s32 v1, v3  }
0x1e6: {  	[tilespmem:s7], [sflag:$0x7] =	stream.indirect_vreg.gather [hbm4b:s1+s3], $0x80, v4, vm0, $0xb8;
	[tilespmem:$0x1C280] =	vst v63  }
0x1e7: {  	s21 =	simm.s32 $0x18A80  }
0x1e8: {  	[tilespmem:s21], [sflag:$0x7] =	stream.indirect_vreg.gather [hbm4b:s5+s3], $0x80, v4, vm0, $0xb8;
	[tilespmem:$0x1C280] =	vst v63  }
0x1e9: {  	s24 =	simm.s32 $0x19280  }
0x1ea: {  	[tilespmem:s24], [sflag:$0x7] =	stream.indirect_vreg.gather [hbm4b:s1+s3], $0x80, v3, vm0, $0xb8;
	[tilespmem:$0x1C280] =	vst v63  }
0x1eb: {  	s20 =	simm.s32 $0x19A80  }
0x1ec: {  	[tilespmem:s20], [sflag:$0x7] =	stream.indirect_vreg.gather [hbm4b:s5+s3], $0x80, v3, vm0, $0xb8;
	[tilespmem:$0x1C280] =	vst v63  }
0x1ed: {  	v3 =	vld [tilespmem:$0x1B0];
	_ =	sdelay $0x4  }
0x1ee: {  	v59 =	vshll.u32 v3, $0x2  }
0x1ef: {  	v3 =	vand.u32 $0x7, v3;
	v4 =	vand.u32 $0xFFFFFFE0, v59  }
0x1f0: {  	v3 =	vor.u32 v3, v4  }
0x1f1: {  	v4 =	vperm.xlane v3, v0;
	_ =	sdelay $0x1  }
0x1f2: {  	v4 =	vadd.s32 v1, v4;
	_ =	sdelay $0x1  }
0x1f3: {  	v3 =	vperm.xlane v3, v2;
	_ =	sdelay $0x1  }
0x1f4: {  	s21 =	simm.s32 $0x1A280;
	v3 =	vadd.s32 v1, v3  }
0x1f5: {  	[tilespmem:s21], [sflag:$0x7] =	stream.indirect_vreg.gather [hbm4b:s1+s3], $0x80, v4, vm0, $0xb8;
	[tilespmem:$0x1C280] =	vst v63  }
0x1f6: {  	s24 =	simm.s32 $0x1AA80  }
0x1f7: {  	[tilespmem:s24], [sflag:$0x7] =	stream.indirect_vreg.gather [hbm4b:s5+s3], $0x80, v4, vm0, $0xb8;
	[tilespmem:$0x1C280] =	vst v63  }
0x1f8: {  	s20 =	simm.s32 $0x1B280  }
0x1f9: {  	[tilespmem:s20], [sflag:$0x7] =	stream.indirect_vreg.gather [hbm4b:s1+s3], $0x80, v3, vm0, $0xb8;
	[tilespmem:$0x1C280] =	vst v63  }
0x1fa: {  	s21 =	simm.s32 $0x1BA80  }
0x1fb: {  	[tilespmem:s21], [sflag:$0x7] =	stream.indirect_vreg.gather [hbm4b:s5+s3], $0x80, v3, vm0, $0xb8;
	[tilespmem:$0x1C280] =	vst v63  }
0x1fc: {  	_ =	swait.ge [sflag:s2], $0x4000  }
0x1fd: {  	[sflag:s2] =	ssyncset.done $0x0  }
0x1fe: {  	s24 =	rddreg [dreg:$0x10];
	[sflag:s2] =	ssyncadd.s32 $0xFFFFC000  }
0x1ff: {  	[hbm4b:s24+s3] =	stream.linear.scatter [tilespmem:s29], [sflag:$0x9], $0x4000, $0x38;
	[tilespmem:$0x1C280] =	vst v63  }
0x200: {  	_ =	swait.ge [sflag:s26], $0x4000  }
0x201: {  	[sflag:s26] =	ssyncset.done $0x0  }
0x202: {  	[sflag:s26] =	ssyncadd.s32 $0xFFFFC000  }
0x203: {  	v3 =	vld [tilespmem:$0x1C0];
	_ =	sdelay $0x4  }
0x204: {  	v60 =	vshll.u32 v3, $0x2  }
0x205: {  	v3 =	vand.u32 $0x7, v3;
	v4 =	vand.u32 $0xFFFFFFE0, v60  }
0x206: {  	v3 =	vor.u32 v3, v4  }
0x207: {  	v4 =	vperm.xlane v3, v0;
	_ =	sdelay $0x1  }
0x208: {  	v4 =	vadd.s32 v1, v4;
	_ =	sdelay $0x1  }
0x209: {  	v3 =	vperm.xlane v3, v2;
	_ =	sdelay $0x1  }
0x20a: {  	v3 =	vadd.s32 v1, v3  }
0x20b: {  	[tilespmem:s16], [sflag:$0x1] =	stream.indirect_vreg.gather [hbm4b:s1+s3], $0x80, v4, vm0, $0xb8;
	[tilespmem:$0x1C280] =	vst v63  }
0x20c: {  	s20 =	simm.s32 $0xA80  }
0x20d: {  	[tilespmem:s20], [sflag:$0x1] =	stream.indirect_vreg.gather [hbm4b:s5+s3], $0x80, v4, vm0, $0xb8;
	[tilespmem:$0x1C280] =	vst v63  }
0x20e: {  	s21 =	simm.s32 $0x1280  }
0x20f: {  	[tilespmem:s21], [sflag:$0x1] =	stream.indirect_vreg.gather [hbm4b:s1+s3], $0x80, v3, vm0, $0xb8;
	[tilespmem:$0x1C280] =	vst v63  }
0x210: {  	s24 =	simm.s32 $0x1A80  }
0x211: {  	[tilespmem:s24], [sflag:$0x1] =	stream.indirect_vreg.gather [hbm4b:s5+s3], $0x80, v3, vm0, $0xb8;
	[tilespmem:$0x1C280] =	vst v63  }
0x212: {  	v3 =	vld [tilespmem:$0x1D0];
	_ =	sdelay $0x4  }
0x213: {  	v61 =	vshll.u32 v3, $0x2  }
0x214: {  	v3 =	vand.u32 $0x7, v3;
	v4 =	vand.u32 $0xFFFFFFE0, v61  }
0x215: {  	v3 =	vor.u32 v3, v4  }
0x216: {  	v4 =	vperm.xlane v3, v0;
	_ =	sdelay $0x1  }
0x217: {  	v4 =	vadd.s32 v1, v4;
	_ =	sdelay $0x1  }
0x218: {  	v3 =	vperm.xlane v3, v2;
	_ =	sdelay $0x1  }
0x219: {  	s20 =	simm.s32 $0x2280;
	v3 =	vadd.s32 v1, v3  }
0x21a: {  	[tilespmem:s20], [sflag:$0x1] =	stream.indirect_vreg.gather [hbm4b:s1+s3], $0x80, v4, vm0, $0xb8;
	[tilespmem:$0x1C280] =	vst v63  }
0x21b: {  	s21 =	simm.s32 $0x2A80  }
0x21c: {  	[tilespmem:s21], [sflag:$0x1] =	stream.indirect_vreg.gather [hbm4b:s5+s3], $0x80, v4, vm0, $0xb8;
	[tilespmem:$0x1C280] =	vst v63  }
0x21d: {  	s24 =	simm.s32 $0x3280  }
0x21e: {  	[tilespmem:s24], [sflag:$0x1] =	stream.indirect_vreg.gather [hbm4b:s1+s3], $0x80, v3, vm0, $0xb8;
	[tilespmem:$0x1C280] =	vst v63  }
0x21f: {  	s20 =	simm.s32 $0x3A80  }
0x220: {  	[tilespmem:s20], [sflag:$0x1] =	stream.indirect_vreg.gather [hbm4b:s5+s3], $0x80, v3, vm0, $0xb8;
	[tilespmem:$0x1C280] =	vst v63  }
0x221: {  	_ =	swait.ge [sflag:s0], $0x4000  }
0x222: {  	[sflag:s0] =	ssyncset.done $0x0  }
0x223: {  	s24 =	simm.s32 $0x8280;
	s21 =	rddreg [dreg:$0x11];
	[sflag:s0] =	ssyncadd.s32 $0xFFFFC000  }
0x224: {  	[hbm4b:s21+s3] =	stream.linear.scatter [tilespmem:s24], [sflag:$0xA], $0x4000, $0x38;
	[tilespmem:$0x1C280] =	vst v63  }
0x225: {  	_ =	swait.ge [sflag:s4], $0x4000  }
0x226: {  	[sflag:s4] =	ssyncset.done $0x0  }
0x227: {  	[sflag:s4] =	ssyncadd.s32 $0xFFFFC000  }
0x228: {  	v3 =	vld [tilespmem:$0x1E0];
	_ =	sdelay $0x4  }
0x229: {  	v62 =	vshll.u32 v3, $0x2  }
0x22a: {  	v3 =	vand.u32 $0x7, v3;
	v4 =	vand.u32 $0xFFFFFFE0, v62  }
0x22b: {  	v3 =	vor.u32 v3, v4  }
0x22c: {  	v4 =	vperm.xlane v3, v0;
	_ =	sdelay $0x1  }
0x22d: {  	v4 =	vadd.s32 v1, v4;
	_ =	sdelay $0x1  }
0x22e: {  	v3 =	vperm.xlane v3, v2;
	_ =	sdelay $0x1  }
0x22f: {  	v3 =	vadd.s32 v1, v3  }
0x230: {  	[tilespmem:s29], [sflag:$0x2] =	stream.indirect_vreg.gather [hbm4b:s1+s3], $0x80, v4, vm0, $0xb8;
	[tilespmem:$0x1C280] =	vst v63  }
0x231: {  	s20 =	simm.s32 $0x4A80  }
0x232: {  	[tilespmem:s20], [sflag:$0x2] =	stream.indirect_vreg.gather [hbm4b:s5+s3], $0x80, v4, vm0, $0xb8;
	[tilespmem:$0x1C280] =	vst v63  }
0x233: {  	s21 =	simm.s32 $0x5280  }
0x234: {  	[tilespmem:s21], [sflag:$0x2] =	stream.indirect_vreg.gather [hbm4b:s1+s3], $0x80, v3, vm0, $0xb8;
	[tilespmem:$0x1C280] =	vst v63  }
0x235: {  	s24 =	simm.s32 $0x5A80  }
0x236: {  	[tilespmem:s24], [sflag:$0x2] =	stream.indirect_vreg.gather [hbm4b:s5+s3], $0x80, v3, vm0, $0xb8;
	[tilespmem:$0x1C280] =	vst v63  }
0x237: {  	v3 =	vld [tilespmem:$0x1F0];
	_ =	sdelay $0x4  }
0x238: {  	v63 =	vshll.u32 v3, $0x2  }
0x239: {  	v3 =	vand.u32 $0x7, v3;
	v4 =	vand.u32 $0xFFFFFFE0, v63  }
0x23a: {  	v3 =	vor.u32 v3, v4  }
0x23b: {  	v4 =	vperm.xlane v3, v0;
	_ =	sdelay $0x1  }
0x23c: {  	v4 =	vadd.s32 v1, v4;
	_ =	sdelay $0x1  }
0x23d: {  	v3 =	vperm.xlane v3, v2;
	_ =	sdelay $0x1  }
0x23e: {  	s18 =	simm.s32 $0x6280;
	v3 =	vadd.s32 v1, v3  }
0x23f: {  	[tilespmem:s18], [sflag:$0x2] =	stream.indirect_vreg.gather [hbm4b:s1+s3], $0x80, v4, vm0, $0xb8;
	[tilespmem:$0x1C280] =	vst v63  }
0x240: {  	s20 =	simm.s32 $0x6A80  }
0x241: {  	[tilespmem:s20], [sflag:$0x2] =	stream.indirect_vreg.gather [hbm4b:s5+s3], $0x80, v4, vm0, $0xb8;
	[tilespmem:$0x1C280] =	vst v63  }
0x242: {  	s21 =	simm.s32 $0x7280  }
0x243: {  	[tilespmem:s21], [sflag:$0x2] =	stream.indirect_vreg.gather [hbm4b:s1+s3], $0x80, v3, vm0, $0xb8;
	[tilespmem:$0x1C280] =	vst v63  }
0x244: {  	s24 =	simm.s32 $0x7A80  }
0x245: {  	[tilespmem:s24], [sflag:$0x2] =	stream.indirect_vreg.gather [hbm4b:s5+s3], $0x80, v3, vm0, $0xb8;
	[tilespmem:$0x1C280] =	vst v63  }
0x246: {  	_ =	swait.ge [sflag:s30], $0x4000  }
0x247: {  	[sflag:s30] =	ssyncset.done $0x0  }
0x248: {  	s9 =	simm.s32 $0xC280;
	s0 =	rddreg [dreg:$0x12];
	[sflag:s30] =	ssyncadd.s32 $0xFFFFC000  }
0x249: {  	[hbm4b:s0+s3] =	stream.linear.scatter [tilespmem:s9], [sflag:$0xB], $0x4000, $0x38;
	[tilespmem:$0x1C280] =	vst v63  }
0x24a: {  	_ =	swait.ge [sflag:s8], $0x4000  }
0x24b: {  	[sflag:s8] =	ssyncset.done $0x0  }
0x24c: {  	s11 =	simm.s32 $0x10280;
	s9 =	rddreg [dreg:$0x13];
	[sflag:s8] =	ssyncadd.s32 $0xFFFFC000  }
0x24d: {  	[hbm4b:s9+s3] =	stream.linear.scatter [tilespmem:s11], [sflag:$0xC], $0x4000, $0x38;
	[tilespmem:$0x1C280] =	vst v63  }
0x24e: {  	_ =	swait.ge [sflag:s12], $0x4000  }
0x24f: {  	[sflag:s12] =	ssyncset.done $0x0  }
0x250: {  	s20 =	rddreg [dreg:$0x14];
	[sflag:s12] =	ssyncadd.s32 $0xFFFFC000  }
0x251: {  	[hbm4b:s20+s3] =	stream.linear.scatter [tilespmem:s19], [sflag:$0xD], $0x4000, $0x38;
	[tilespmem:$0x1C280] =	vst v63  }
0x252: {  	_ =	swait.ge [sflag:s14], $0x4000  }
0x253: {  	[sflag:s14] =	ssyncset.done $0x0  }
0x254: {  	s21 =	rddreg [dreg:$0x15];
	[sflag:s14] =	ssyncadd.s32 $0xFFFFC000  }
0x255: {  	[hbm4b:s21+s3] =	stream.linear.scatter [tilespmem:s7], [sflag:$0xE], $0x4000, $0x38;
	[tilespmem:$0x1C280] =	vst v63  }
0x256: {  	_ =	swait.ge [sflag:s23], $0x4000  }
0x257: {  	[sflag:s23] =	ssyncset.done $0x0  }
0x258: {  	s24 =	rddreg [dreg:$0x16];
	[sflag:s23] =	ssyncadd.s32 $0xFFFFC000  }
0x259: {  	[hbm4b:s24+s3] =	stream.linear.scatter [tilespmem:s16], [sflag:$0x8], $0x4000, $0x38;
	[tilespmem:$0x1C280] =	vst v63  }
0x25a: {  	_ =	swait.ge [sflag:s2], $0x4000  }
0x25b: {  	[sflag:s2] =	ssyncset.done $0x0  }
0x25c: {  	s30 =	rddreg [dreg:$0x17];
	[sflag:s2] =	ssyncadd.s32 $0xFFFFC000  }
0x25d: {  	[hbm4b:s30+s3] =	stream.linear.scatter [tilespmem:s29], [sflag:$0x9], $0x4000, $0x38;
	[tilespmem:$0x1C280] =	vst v63  }
0x25e: {  	s18 =	simm.s32 @!p0 $0x0;
	s20 =	simm.s32 @!p0 $0x200;
	s19 =	rddreg [dreg:$0x6]  }
0x25f: {  	[tilespmem:s20], [sflag:$0x10] =	stream.linear.gather @!p0 [hbm4b:s19+s18], $0x80, $0x38;
	[tilespmem:$0x1C280] =	vst v63  }
0x260: {  	s19 =	simm.s32 @!p0 $0x10  }
0x261: {  	_ =	swait.ge @!p0 [sflag:s19], $0x80  }
0x262: {  	[sflag:s19] =	ssyncset.done @!p0 $0x0  }
0x263: {  	s21 =	rddreg [dreg:$0x7];
	[sflag:s19] =	ssyncadd.s32 @!p0 $0xFFFFFF80  }
0x264: {  	[hbm4b:s21+s18] =	stream.linear.scatter @!p0 [tilespmem:s20], [sflag:$0x10], $0x80, $0x38;
	[tilespmem:$0x1C280] =	vst v63  }
0x265: {  	_ =	swait.ge @!p0 [sflag:s19], $0x80  }
0x266: {  	[sflag:s19] =	ssyncset.done @!p0 $0x0  }
0x267: {  	[sflag:s19] =	ssyncadd.s32 @!p0 $0xFFFFFF80  }
0x268: {  	_ =	swait.ge [sflag:s10], $0x4000  }
0x269: {  	[sflag:s10] =	ssyncset.done $0x0  }
0x26a: {  	[sflag:s10] =	ssyncadd.s32 $0xFFFFC000  }
0x26b: {  	_ =	swait.ge [sflag:s22], $0x4000  }
0x26c: {  	[sflag:s22] =	ssyncset.done $0x0  }
0x26d: {  	[sflag:s22] =	ssyncadd.s32 $0xFFFFC000  }
0x26e: {  	_ =	swait.ge [sflag:s13], $0x4000  }
0x26f: {  	[sflag:s13] =	ssyncset.done $0x0  }
0x270: {  	[sflag:s13] =	ssyncadd.s32 $0xFFFFC000  }
0x271: {  	_ =	swait.ge [sflag:s15], $0x4000  }
0x272: {  	[sflag:s15] =	ssyncset.done $0x0  }
0x273: {  	[sflag:s15] =	ssyncadd.s32 $0xFFFFC000  }
0x274: {  	_ =	swait.ge [sflag:s17], $0x4000  }
0x275: {  	[sflag:s17] =	ssyncset.done $0x0  }
0x276: {  	s6 =	sadd.s32 $0xFFFFFFFF, s6;
	[sflag:s17] =	ssyncadd.s32 $0xFFFFC000  }
0x277: {  	p1 =	sne.s32 s6, $0x0;
	_ =	swait.ge [sflag:s26], $0x4000  }
.Ltmp0:
0x278: {  	[sflag:s26] =	ssyncset.done $0x0;
	(pc) =	sbr.rel @p1 .LBB2_1-.Ltmp0, $4  }
0x279: {  	[sflag:s26] =	ssyncadd.s32 $0xFFFFC000  }
0x27a: {  	_ =	swait.ge [sflag:s4], $0x4000  }
0x27b: {  	[sflag:s4] =	ssyncset.done $0x0  }
0x27c: {  	[sflag:s4] =	ssyncadd.s32 $0xFFFFC000  }
0x27d: {  	_ =	sfence.sel $0x180000  }
0x27e: {  	[bflag:$0x0] =	sbarrier.arrive $0xFFFF  }
0x27f: {  	_ =	strace $0x90000047  }
0x280: {  	s0 =	stileid.u32;
	[bflag:$0x2] =	sbarrier.arrive $0xFFFF  }
0x281: {  	p0 =	sne.s32 s0, $0x0;
	s0 =	rddreg [dreg:$0x5]  }
0x282: {  	s0 =	sadd.s32 @!p0 $0x100000, s0  }
0x283: {  	[sflag:s0] =	ssyncadd.tile.s32 @!p0 $0x1;
	_ =	shalt  }
.Lfunc_end2:
_tile_overlayer_lowered:
.L_overlay_start_2:
0x284: {  	(tag) =	ssettag $0x2  }
0x285: {  	s0 =	rddreg [dreg:$0x0];
	s2 =	stileid.u32  }
0x286: {  	s1 =	rddreg [dreg:$0x1];
	p0 =	sne.s32 s2, $0x0  }
0x287: {  	s3 =	rddreg [dreg:$0x2];
	[bflag:$0x3] =	sbarrier.arrive $0xFFFF;
	s2 =	simm.s32 @!p0 $0x1C10  }
0x288: {  	[timem:s3], [sflag:s2] =	dma.local @!p0 [hbm:s0], s1  }
0x289: {  	s0 =	simm.s32 @!p0 $0x10  }
0x28a: {  	_ =	swait.ge @!p0 [sflag:s0], s1  }
0x28b: {  	s1 =	ssub.s32 @!p0 $0x0, s1;
	[sflag:s0] =	ssyncset.done @!p0 $0x0  }
0x28c: {  	[sflag:s0] =	ssyncadd.s32 @!p0 s1  }
0x28d: {  	[bflag:$0x3] =	sbarrier.arrive $0xFFFF  }
0x28e: {  	_ =	shalt  }

</sc_bundles>
